<compile_context>
chip_gen: v7x
topology: tpu7x:2x2x1
jax: 0.10.2.dev20260603
libtpu: 0.0.44.dev20260713+nightly
codegen_flags: <defaults>
</compile_context>

<pallas_src>
import functools

import jax
import jax.numpy as jnp
from jax import lax
from jax.experimental import pallas as pl
from jax.experimental.pallas import tpu as pltpu
from jax.experimental.pallas import tpu_sc as plsc

PROPOSAL_COUNT = 1000
NMS_THRESHOLD = 0.7
PRE_NMS_LIMIT = 6000
NUM_ANCHORS = 261888
N_PAD = 262144
NEG = -1e30

NUM_TILES = 32
CHUNK = N_PAD // NUM_TILES
LANES = 16
ALIGN = 64
CAND_PAD = 8192
CAND_ROWS = CAND_PAD // 128



def _threshold_body(s_ref, meta_ref, bases_ref):
    bits = lax.bitcast_convert_type(s_ref[...], jnp.int32)
    lin = (lax.broadcasted_iota(jnp.int32, bits.shape, 0) * 128
           + lax.broadcasted_iota(jnp.int32, bits.shape, 1))

    def bs_body(_, carry):
        lo, hi = carry
        mid = (lo + hi) // 2
        c = jnp.sum((bits >= mid).astype(jnp.int32))
        take = c >= PRE_NMS_LIMIT
        return (jnp.where(take, mid, lo), jnp.where(take, hi, mid))

    lo0 = jnp.int32(0)
    hi0 = jnp.int32(0x3F800001)
    t_bits, _ = lax.fori_loop(0, 31, bs_body, (lo0, hi0))

    c_gt = jnp.sum((bits > t_bits).astype(jnp.int32))
    quota = PRE_NMS_LIMIT - c_gt

    eq = bits == t_bits

    def ix_body(_, carry):
        lo, hi = carry
        mid = (lo + hi) // 2
        c = jnp.sum((eq & (lin <= mid)).astype(jnp.int32))
        ge = c >= quota
        return (jnp.where(ge, lo, mid), jnp.where(ge, mid, hi))

    _, t_idx = lax.fori_loop(0, 19, ix_body,
                             (jnp.int32(-1), jnp.int32(N_PAD - 1)))

    pred = ((bits > t_bits) | (eq & (lin <= t_idx))).astype(jnp.int32)

    base = jnp.int32(0)
    rows_per_tile = CHUNK // 128
    for i in range(NUM_TILES):
        bases_ref[i] = base
        cnt = jnp.sum(pred[i * rows_per_tile:(i + 1) * rows_per_tile, :])
        base = base + ((cnt + (ALIGN - 1)) // ALIGN) * ALIGN

    meta_ref[0] = t_bits
    meta_ref[1] = t_idx
    meta_ref[2] = base
    for k in range(3, 16):
        meta_ref[k] = jnp.int32(0)


def _run_threshold(scores_pad):
    return pl.pallas_call(
        _threshold_body,
        out_shape=(
            jax.ShapeDtypeStruct((16,), jnp.int32),
            jax.ShapeDtypeStruct((NUM_TILES,), jnp.int32),
        ),
        out_specs=(
            pl.BlockSpec(memory_space=pltpu.SMEM),
            pl.BlockSpec(memory_space=pltpu.SMEM),
        ),
    )(scores_pad.reshape(2048, 128))



def _sc_body(scores_hbm, table_hbm, meta_hbm, bases_hbm,
             out_score, out_rows,
             s_chunk, idx_buf, sc_buf, idx_stage, rows_v, meta_v,
             bases_v, sem):
    wid = lax.axis_index("s") * 2 + lax.axis_index("c")
    lane = lax.iota(jnp.int32, LANES)

    pltpu.sync_copy(
        scores_hbm.at[pl.ds(pl.multiple_of(wid * CHUNK, CHUNK), CHUNK)],
        s_chunk)
    pltpu.sync_copy(meta_hbm, meta_v)
    pltpu.sync_copy(bases_hbm, bases_v)

    mv = meta_v[...]
    t_bits = jnp.sum(jnp.where(lane == 0, mv, 0))
    t_idx = jnp.sum(jnp.where(lane == 1, mv, 0))

    b_lo = bases_v[pl.ds(0, LANES)]
    b_hi = bases_v[pl.ds(LANES, LANES)]
    base_lo = jnp.sum(jnp.where(lane == wid, b_lo, 0))
    base_hi = jnp.sum(jnp.where(lane == (wid - LANES), b_hi, 0))
    my_base = jnp.where(wid < LANES, base_lo, base_hi)

    gbase = wid * CHUNK

    def compact_body(i, pos):
        s = s_chunk[pl.ds(i * LANES, LANES)]
        b = plsc.bitcast(s, jnp.int32)
        gidx = gbase + i * LANES + lane
        mask = (b > t_bits) | ((b == t_bits) & (gidx <= t_idx))
        plsc.store_compressed(idx_buf.at[pl.ds(pos, LANES)], gidx, mask=mask)
        plsc.store_compressed(sc_buf.at[pl.ds(pos, LANES)], s, mask=mask)
        return pos + jnp.sum(mask.astype(jnp.int32))

    pos = lax.fori_loop(0, CHUNK // LANES, compact_body, jnp.int32(0))

    zeros16 = jnp.zeros((LANES,), jnp.int32)
    negs16 = jnp.full((LANES,), NEG, jnp.float32)
    for k in range(ALIGN // LANES):
        idx_buf[pl.ds(pos + k * LANES, LANES)] = zeros16
        sc_buf[pl.ds(pos + k * LANES, LANES)] = negs16

    n_chunks = (pos + (ALIGN - 1)) // ALIGN

    def out_body(c, _):
        src = pl.ds(pl.multiple_of(c * ALIGN, ALIGN), ALIGN)
        dst = pl.ds(pl.multiple_of(my_base + c * ALIGN, ALIGN), ALIGN)
        pltpu.sync_copy(sc_buf.at[src], out_score.at[dst])
        for k in range(ALIGN // LANES):
            idx_stage[pl.ds(k * LANES, LANES)] = (
                idx_buf[pl.ds(c * ALIGN + k * LANES, LANES)])
        pltpu.async_copy(table_hbm.at[idx_stage], rows_v, sem).wait()
        pltpu.sync_copy(rows_v, out_rows.at[dst])
        return 0

    lax.fori_loop(0, n_chunks, out_body, 0)


def _run_sc(scores_pad, table_pad, meta, bases):
    mesh = plsc.VectorSubcoreMesh(core_axis_name="c", subcore_axis_name="s")
    f = functools.partial(
        pl.kernel,
        mesh=mesh,
        compiler_params=pltpu.CompilerParams(
            needs_layout_passes=False, use_tc_tiling_on_sc=False),
        out_type=(
            jax.ShapeDtypeStruct((CAND_PAD,), jnp.float32),
            jax.ShapeDtypeStruct((CAND_PAD, 16), jnp.float32),
        ),
        scratch_types=[
            pltpu.VMEM((CHUNK,), jnp.float32),
            pltpu.VMEM((CHUNK + ALIGN,), jnp.int32),
            pltpu.VMEM((CHUNK + ALIGN,), jnp.float32),
            pltpu.VMEM((ALIGN,), jnp.int32),
            pltpu.VMEM((ALIGN, 16), jnp.float32),
            pltpu.VMEM((16,), jnp.int32),
            pltpu.VMEM((NUM_TILES,), jnp.int32),
            pltpu.SemaphoreType.DMA,
        ],
    )(_sc_body)
    return f(scores_pad, table_pad, meta, bases)



def _nms_body(s_ref, rows_ref, meta_ref, out_ref,
              ms_ref, y1_ref, x1_ref, y2_ref, x2_ref, ar_ref):
    total_end = meta_ref[2]
    shape = (CAND_ROWS, 128)
    lin = (lax.broadcasted_iota(jnp.int32, shape, 0) * 128
           + lax.broadcasted_iota(jnp.int32, shape, 1))

    ms0 = jnp.where(lin < total_end, s_ref[...], NEG)
    valid_in = ms0 > jnp.float32(-1e29)

    ay1 = rows_ref[0]
    ax1 = rows_ref[1]
    ay2 = rows_ref[2]
    ax2 = rows_ref[3]
    h = ay2 - ay1
    w = ax2 - ax1
    cy = ay1 + 0.5 * h
    cx = ax1 + 0.5 * w
    d0 = rows_ref[4] * jnp.float32(0.1)
    d1 = rows_ref[5] * jnp.float32(0.1)
    d2 = rows_ref[6] * jnp.float32(0.2)
    d3 = rows_ref[7] * jnp.float32(0.2)
    cy = cy + d0 * h
    cx = cx + d1 * w
    h = h * jnp.exp(d2)
    w = w * jnp.exp(d3)
    y1 = jnp.clip(cy - 0.5 * h, 0.0, 1.0)
    x1 = jnp.clip(cx - 0.5 * w, 0.0, 1.0)
    y2 = jnp.clip(cy + 0.5 * h, 0.0, 1.0)
    x2 = jnp.clip(cx + 0.5 * w, 0.0, 1.0)
    y1 = jnp.where(valid_in, y1, 0.0)
    x1 = jnp.where(valid_in, x1, 0.0)
    y2 = jnp.where(valid_in, y2, 0.0)
    x2 = jnp.where(valid_in, x2, 0.0)

    ms_ref[...] = ms0
    y1_ref[...] = y1
    x1_ref[...] = x1
    y2_ref[...] = y2
    x2_ref[...] = x2
    ar_ref[...] = (y2 - y1) * (x2 - x1)

    lane = lax.broadcasted_iota(jnp.int32, (1, 128), 1)

    def body(i, _):
        ms = ms_ref[...]
        m = jnp.max(ms, keepdims=True).reshape(1, 1)
        pick = jnp.min(jnp.where(ms == m, lin, jnp.int32(N_PAD)),
                       keepdims=True).reshape(1, 1)
        fsel = lin == pick
        valid = m > jnp.float32(-1e29)

        y1v = jnp.sum(jnp.where(fsel, y1_ref[...], 0.0),
                      keepdims=True).reshape(1, 1)
        x1v = jnp.sum(jnp.where(fsel, x1_ref[...], 0.0),
                      keepdims=True).reshape(1, 1)
        y2v = jnp.sum(jnp.where(fsel, y2_ref[...], 0.0),
                      keepdims=True).reshape(1, 1)
        x2v = jnp.sum(jnp.where(fsel, x2_ref[...], 0.0),
                      keepdims=True).reshape(1, 1)
        arv = jnp.sum(jnp.where(fsel, ar_ref[...], 0.0),
                      keepdims=True).reshape(1, 1)

        iy1 = jnp.maximum(y1_ref[...], y1v)
        ix1 = jnp.maximum(x1_ref[...], x1v)
        iy2 = jnp.minimum(y2_ref[...], y2v)
        ix2 = jnp.minimum(x2_ref[...], x2v)
        inter = jnp.maximum(iy2 - iy1, 0.0) * jnp.maximum(ix2 - ix1, 0.0)
        iou = inter / (ar_ref[...] + arv - inter + jnp.float32(1e-8))
        supp = (iou > jnp.float32(NMS_THRESHOLD)) | fsel
        ms_ref[...] = jnp.where(supp, NEG, ms)

        row = (jnp.where(lane == 0, y1v, 0.0)
               + jnp.where(lane == 1, x1v, 0.0)
               + jnp.where(lane == 2, y2v, 0.0)
               + jnp.where(lane == 3, x2v, 0.0))
        out_ref[pl.ds(i, 1), :] = jnp.where(valid, row, 0.0)
        return 0

    lax.fori_loop(0, PROPOSAL_COUNT, body, 0)


def _run_nms(cand_score, cand_rows, meta):
    return pl.pallas_call(
        _nms_body,
        out_shape=jax.ShapeDtypeStruct((1024, 128), jnp.float32),
        in_specs=[
            pl.BlockSpec(memory_space=pltpu.VMEM),
            pl.BlockSpec(memory_space=pltpu.VMEM),
            pl.BlockSpec(memory_space=pltpu.SMEM),
        ],
        scratch_shapes=[pltpu.VMEM((CAND_ROWS, 128), jnp.float32)
                        for _ in range(6)],
    )(
        cand_score.reshape(CAND_ROWS, 128),
        cand_rows.T[:8].reshape(8, CAND_ROWS, 128),
        meta,
    )



def kernel(rpn_probs, rpn_bbox, anchors):
    pad = N_PAD - NUM_ANCHORS
    scores = rpn_probs[0, :, 1]
    scores_pad = jnp.concatenate([scores, jnp.full((pad,), NEG, jnp.float32)])
    table_pad = jnp.pad(
        jnp.concatenate([anchors[0], rpn_bbox[0]], axis=1),
        ((0, pad), (0, 8)))

    meta, bases = _run_threshold(scores_pad)
    cand_score, cand_rows = _run_sc(scores_pad, table_pad, meta, bases)
    out = _run_nms(cand_score, cand_rows, meta)
    return out[:PROPOSAL_COUNT, :4][None]

# --- scband reference (transcript-rebuilt; emitter-appended) ---
"""Pipeline reference for scband-proposal-layer-86517821216530 (READ-ONLY COPY).

The authoritative reference and input builder live on the scoring server;
editing this copy changes nothing except your own understanding.
"""

import jax, jax.numpy as jnp
import numpy as np
from jax import lax

PROPOSAL_COUNT = 1000
NMS_THRESHOLD = 0.7
RPN_BBOX_STD_DEV = np.array([0.1, 0.1, 0.2, 0.2], dtype=np.float32)
PRE_NMS_LIMIT = 6000
NUM_ANCHORS = 261888
BATCH = 1


def setup_inputs(seed: int = 0) -> dict:
    key = jax.random.key(seed)
    k1, k2, k3 = jax.random.split(key, 3)
    rpn_probs = jax.random.uniform(k1, (BATCH, NUM_ANCHORS, 2), dtype=jnp.float32)
    rpn_bbox = jax.random.normal(k2, (BATCH, NUM_ANCHORS, 4), dtype=jnp.float32)
    a = jax.random.uniform(k3, (BATCH, NUM_ANCHORS, 4), dtype=jnp.float32)
    cy = a[..., 0]
    cx = a[..., 1]
    h = a[..., 2] * 0.2 + 0.01
    w = a[..., 3] * 0.2 + 0.01
    anchors = jnp.stack([cy - h / 2, cx - w / 2, cy + h / 2, cx + w / 2], axis=-1)
    return {"rpn_probs": rpn_probs, "rpn_bbox": rpn_bbox, "anchors": anchors}


def _apply_box_delta(boxes, deltas):
    h = boxes[..., 2] - boxes[..., 0]
    w = boxes[..., 3] - boxes[..., 1]
    cy = boxes[..., 0] + 0.5 * h
    cx = boxes[..., 1] + 0.5 * w
    cy = cy + deltas[..., 0] * h
    cx = cx + deltas[..., 1] * w
    h = h * jnp.exp(deltas[..., 2])
    w = w * jnp.exp(deltas[..., 3])
    return jnp.stack([cy - 0.5 * h, cx - 0.5 * w, cy + 0.5 * h, cx + 0.5 * w], axis=-1)


def _nms_indices(boxes, scores):
    # tf.image.non_max_suppression equivalent; index selection is non-differentiable
    boxes = lax.stop_gradient(boxes)
    scores = lax.stop_gradient(scores)
    y1 = boxes[:, 0]; x1 = boxes[:, 1]; y2 = boxes[:, 2]; x2 = boxes[:, 3]
    areas = (y2 - y1) * (x2 - x1)
    NEG = jnp.float32(-1e30)

    def body(i, state):
        active, sel = state
        ms = jnp.where(active, scores, NEG)
        idx = jnp.argmax(ms)
        valid = ms[idx] > jnp.float32(-1e29)
        iy1 = jnp.maximum(y1[idx], y1)
        ix1 = jnp.maximum(x1[idx], x1)
        iy2 = jnp.minimum(y2[idx], y2)
        ix2 = jnp.minimum(x2[idx], x2)
        inter = jnp.maximum(iy2 - iy1, 0.0) * jnp.maximum(ix2 - ix1, 0.0)
        iou = inter / (areas + areas[idx] - inter + 1e-8)
        active = active & (iou <= NMS_THRESHOLD)
        active = active.at[idx].set(False)
        sel = sel.at[i].set(jnp.where(valid, idx.astype(jnp.int32), jnp.int32(-1)))
        return (active, sel)

    active0 = jnp.ones((boxes.shape[0],), dtype=bool)
    sel0 = jnp.full((PROPOSAL_COUNT,), -1, dtype=jnp.int32)
    _, sel = lax.fori_loop(0, PROPOSAL_COUNT, body, (active0, sel0))
    return sel


def _forward(rpn_probs, rpn_bbox, anchors):
    # scores: fg prob
    scores = rpn_probs[:, :, 1]
    deltas = rpn_bbox * jnp.asarray(RPN_BBOX_STD_DEV).reshape(1, 1, 4)
    # trim_by_score: top pre_nms_limit anchors per image
    limit = min(PRE_NMS_LIMIT, scores.shape[1])
    top_scores, ix = lax.top_k(scores, limit)
    deltas_t = jnp.take_along_axis(deltas, ix[:, :, None], axis=1)
    anchors_t = jnp.take_along_axis(anchors, ix[:, :, None], axis=1)
    # apply_box_delta
    boxes = _apply_box_delta(anchors_t, deltas_t)
    # clip_image_boundaries to normalized window [0, 0, 1, 1]
    boxes = jnp.clip(boxes, 0.0, 1.0)

    def per_image(b, s):
        sel = _nms_indices(b, s)
        valid = (sel >= 0).astype(b.dtype)
        props = jnp.take(b, jnp.maximum(sel, 0), axis=0) * valid[:, None]
        return props

    return jax.vmap(per_image)(boxes, top_scores)


def reference(rpn_probs, rpn_bbox, anchors):
    return _forward(rpn_probs, rpn_bbox, anchors)

if __name__ == "__main__":
    import jax
    _d = setup_inputs()
    print(jax.jit(kernel)(*tuple(_d.values())))

</pallas_src>

<mosaic_0001>
#map = affine_map<(d0, d1) -> (0)>
#map1 = affine_map<(d0, d1) -> (0, 0)>
module attributes {stable_mosaic.version = 14 : i64} {
  func.func @_sc_body(%arg0: i32, %arg1: i32, %arg2: memref<262144xf32, #tpu.memory_space<hbm>>, %arg3: memref<262144x16xf32, #tpu.memory_space<hbm>>, %arg4: memref<16xi32, #tpu.memory_space<hbm>>, %arg5: memref<32xi32, #tpu.memory_space<hbm>>, %arg6: memref<8192xf32, #tpu.memory_space<hbm>>, %arg7: memref<8192x16xf32, #tpu.memory_space<hbm>>, %arg8: memref<8192xf32, #tpu.memory_space<vmem>>, %arg9: memref<8256xi32, #tpu.memory_space<vmem>>, %arg10: memref<8256xf32, #tpu.memory_space<vmem>>, %arg11: memref<64xi32, #tpu.memory_space<vmem>>, %arg12: memref<64x16xf32, #tpu.memory_space<vmem>>, %arg13: memref<16xi32, #tpu.memory_space<vmem>>, %arg14: memref<32xi32, #tpu.memory_space<vmem>>, %arg15: memref<!tpu.dma_semaphore, #tpu.memory_space<semaphore_mem>>) attributes {dimension_semantics = [#tpu.dimension_semantics<core_parallel>, #tpu.dimension_semantics<subcore_parallel>], iteration_bounds = array<i64: 2, 16>, scalar_prefetch = 0 : i64, scratch_operands = 8 : i64, tpu.core_type = #tpu.core_type<sc_vector_subcore>, window_params = [{transform_indices = #map}, {transform_indices = #map1}, {transform_indices = #map}, {transform_indices = #map}, {transform_indices = #map}, {transform_indices = #map1}]} {
    %mul3A = arith.constant 2 : i32
    %mul3A_0 = arith.muli %arg1, %mul3A : i32
    %add3A = arith.addi %mul3A_0, %arg0 : i32
    %iota3A = tpu.iota {dimensions = array<i32: 0>} : vector<16xi32>
    %mul3A_1 = arith.constant 8192 : i32
    %mul3A_2 = arith.muli %add3A, %mul3A_1 : i32
    %multiple_of3A = tpu.assume_multiple %mul3A_2, 8192 : i32
    "tpu.region"() ({
      %run_scoped3A = tpu.sem_alloc : memref<!tpu.dma_semaphore, #tpu.memory_space<semaphore_mem>>
      %dma_start3A = tpu.memref_slice %arg2[%multiple_of3A] : memref<262144xf32, #tpu.memory_space<hbm>> -> memref<8192xf32, #tpu.memory_space<hbm>>
      %dma_start3A_119 = tpu.memref_slice %arg2[%multiple_of3A] : memref<262144xf32, #tpu.memory_space<hbm>> -> memref<8192xf32, #tpu.memory_space<hbm>>
      tpu.enqueue_dma source(%dma_start3A_119 : memref<8192xf32, #tpu.memory_space<hbm>>) target(%arg8 : memref<8192xf32, #tpu.memory_space<vmem>>) target_semaphore(%run_scoped3A : memref<!tpu.dma_semaphore, #tpu.memory_space<semaphore_mem>>)
      %dma_wait3A = tpu.memref_slice %arg2[%multiple_of3A] : memref<262144xf32, #tpu.memory_space<hbm>> -> memref<8192xf32, #tpu.memory_space<hbm>>
      %dma_wait3A_120 = tpu.memref_slice %arg2[%multiple_of3A] : memref<262144xf32, #tpu.memory_space<hbm>> -> memref<8192xf32, #tpu.memory_space<hbm>>
      tpu.wait_dma2 semaphore(%run_scoped3A : memref<!tpu.dma_semaphore, #tpu.memory_space<semaphore_mem>>) src(%dma_wait3A_120 : memref<8192xf32, #tpu.memory_space<hbm>>) dst(%arg8 : memref<8192xf32, #tpu.memory_space<vmem>>)
      tpu.yield
    }) : () -> ()
    "tpu.region"() ({
      %run_scoped3A = tpu.sem_alloc : memref<!tpu.dma_semaphore, #tpu.memory_space<semaphore_mem>>
      tpu.enqueue_dma source(%arg4 : memref<16xi32, #tpu.memory_space<hbm>>) target(%arg13 : memref<16xi32, #tpu.memory_space<vmem>>) target_semaphore(%run_scoped3A : memref<!tpu.dma_semaphore, #tpu.memory_space<semaphore_mem>>)
      tpu.wait_dma2 semaphore(%run_scoped3A : memref<!tpu.dma_semaphore, #tpu.memory_space<semaphore_mem>>) src(%arg4 : memref<16xi32, #tpu.memory_space<hbm>>) dst(%arg13 : memref<16xi32, #tpu.memory_space<vmem>>)
      tpu.yield
    }) : () -> ()
    "tpu.region"() ({
      %run_scoped3A = tpu.sem_alloc : memref<!tpu.dma_semaphore, #tpu.memory_space<semaphore_mem>>
      tpu.enqueue_dma source(%arg5 : memref<32xi32, #tpu.memory_space<hbm>>) target(%arg14 : memref<32xi32, #tpu.memory_space<vmem>>) target_semaphore(%run_scoped3A : memref<!tpu.dma_semaphore, #tpu.memory_space<semaphore_mem>>)
      tpu.wait_dma2 semaphore(%run_scoped3A : memref<!tpu.dma_semaphore, #tpu.memory_space<semaphore_mem>>) src(%arg5 : memref<32xi32, #tpu.memory_space<hbm>>) dst(%arg14 : memref<32xi32, #tpu.memory_space<vmem>>)
      tpu.yield
    }) : () -> ()
    %get3A = arith.constant 0 : index
    %get3A_3 = tpu.vector_load %arg13[%get3A] {strides = array<i32>} : memref<16xi32, #tpu.memory_space<vmem>>, vector<16xi32>,
    %eq3A = arith.constant 0 : i32
    %eq3A_4 = vector.broadcast %eq3A : i32 to vector<16xi32>
    %eq3A_5 = arith.cmpi eq, %iota3A, %eq3A_4 : vector<16xi32>
    %jit3A = arith.constant 0 : i32
    %broadcast_in_dim3A = vector.broadcast %jit3A : i32 to vector<16xi32>
    %select_n3A = arith.select %eq3A_5, %get3A_3, %broadcast_in_dim3A : vector<16xi1>, vector<16xi32>
    %reduce_sum3A = arith.constant true
    %reduce_sum3A_6 = vector.broadcast %reduce_sum3A : i1 to vector<16xi1>
    %reduce_sum3A_7 = tpu.scan <sum>, %select_n3A masked %reduce_sum3A_6 : vector<16xi32>, vector<16xi1> -> vector<16xi32>
    %reduce_sum3A_8 = vector.extract %reduce_sum3A_7[15] : i32 from vector<16xi32>
    %eq3A_9 = arith.constant 1 : i32
    %eq3A_10 = vector.broadcast %eq3A_9 : i32 to vector<16xi32>
    %eq3A_11 = arith.cmpi eq, %iota3A, %eq3A_10 : vector<16xi32>
    %jit3A_12 = arith.constant 0 : i32
    %broadcast_in_dim3A_13 = vector.broadcast %jit3A_12 : i32 to vector<16xi32>
    %select_n3A_14 = arith.select %eq3A_11, %get3A_3, %broadcast_in_dim3A_13 : vector<16xi1>, vector<16xi32>
    %reduce_sum3A_15 = arith.constant true
    %reduce_sum3A_16 = vector.broadcast %reduce_sum3A_15 : i1 to vector<16xi1>
    %reduce_sum3A_17 = tpu.scan <sum>, %select_n3A_14 masked %reduce_sum3A_16 : vector<16xi32>, vector<16xi1> -> vector<16xi32>
    %reduce_sum3A_18 = vector.extract %reduce_sum3A_17[15] : i32 from vector<16xi32>
    %get3A_19 = arith.constant 0 : index
    %get3A_20 = tpu.vector_load %arg14[%get3A_19] {strides = array<i32>} : memref<32xi32, #tpu.memory_space<vmem>>, vector<16xi32>,
    %get3A_21 = arith.constant 16 : index
    %get3A_22 = tpu.vector_load %arg14[%get3A_21] {strides = array<i32>} : memref<32xi32, #tpu.memory_space<vmem>>, vector<16xi32>,
    %eq3A_23 = vector.broadcast %add3A : i32 to vector<16xi32>
    %eq3A_24 = arith.cmpi eq, %iota3A, %eq3A_23 : vector<16xi32>
    %jit3A_25 = arith.constant 0 : i32
    %broadcast_in_dim3A_26 = vector.broadcast %jit3A_25 : i32 to vector<16xi32>
    %select_n3A_27 = arith.select %eq3A_24, %get3A_20, %broadcast_in_dim3A_26 : vector<16xi1>, vector<16xi32>
    %reduce_sum3A_28 = arith.constant true
    %reduce_sum3A_29 = vector.broadcast %reduce_sum3A_28 : i1 to vector<16xi1>
    %reduce_sum3A_30 = tpu.scan <sum>, %select_n3A_27 masked %reduce_sum3A_29 : vector<16xi32>, vector<16xi1> -> vector<16xi32>
    %reduce_sum3A_31 = vector.extract %reduce_sum3A_30[15] : i32 from vector<16xi32>
    %sub3A = arith.constant 16 : i32
    %sub3A_32 = arith.subi %add3A, %sub3A : i32
    %eq3A_33 = vector.broadcast %sub3A_32 : i32 to vector<16xi32>
    %eq3A_34 = arith.cmpi eq, %iota3A, %eq3A_33 : vector<16xi32>
    %jit3A_35 = arith.constant 0 : i32
    %broadcast_in_dim3A_36 = vector.broadcast %jit3A_35 : i32 to vector<16xi32>
    %select_n3A_37 = arith.select %eq3A_34, %get3A_22, %broadcast_in_dim3A_36 : vector<16xi1>, vector<16xi32>
    %reduce_sum3A_38 = arith.constant true
    %reduce_sum3A_39 = vector.broadcast %reduce_sum3A_38 : i1 to vector<16xi1>
    %reduce_sum3A_40 = tpu.scan <sum>, %select_n3A_37 masked %reduce_sum3A_39 : vector<16xi32>, vector<16xi1> -> vector<16xi32>
    %reduce_sum3A_41 = vector.extract %reduce_sum3A_40[15] : i32 from vector<16xi32>
    %lt3A = arith.constant 16 : i32
    %lt3A_42 = arith.cmpi slt, %add3A, %lt3A : i32
    %select_n3A_43 = arith.select %lt3A_42, %reduce_sum3A_31, %reduce_sum3A_41 : i32
    %mul3A_44 = arith.constant 8192 : i32
    %mul3A_45 = arith.muli %add3A, %mul3A_44 : i32
    %scan3A = arith.constant 0 : i32
    %scan3A_46 = arith.constant 0 : i32
    %scan3A_47 = arith.constant 512 : i32
    %scan3A_48 = arith.addi %scan3A_46, %scan3A_47 : i32
    %scan3A_49 = arith.constant 1 : i32
    %scan3A_50 = scf.for %scan3A_119 = %scan3A_46 to %scan3A_48 step %scan3A_49 iter_args(%scan3A_120 = %scan3A) -> (i32)  : i32 {
      %mul3A_121 = arith.constant 16 : i32
      %mul3A_122 = arith.muli %scan3A_119, %mul3A_121 : i32
      %get3A_123 = arith.index_cast %mul3A_122 : i32 to index
      %get3A_124 = tpu.vector_load %arg8[%get3A_123] {strides = array<i32>} : memref<8192xf32, #tpu.memory_space<vmem>>, vector<16xf32>,
      %bitcast3A = vector.bitcast %get3A_124 : vector<16xf32> to vector<16xi32>
      %mul3A_125 = arith.constant 16 : i32
      %mul3A_126 = arith.muli %scan3A_119, %mul3A_125 : i32
      %add3A_127 = arith.addi %mul3A_45, %mul3A_126 : i32
      %add3A_128 = vector.broadcast %add3A_127 : i32 to vector<16xi32>
      %add3A_129 = arith.addi %add3A_128, %iota3A : vector<16xi32>
      %gt3A = vector.broadcast %reduce_sum3A_8 : i32 to vector<16xi32>
      %gt3A_130 = arith.cmpi sgt, %bitcast3A, %gt3A : vector<16xi32>
      %eq3A_131 = vector.broadcast %reduce_sum3A_8 : i32 to vector<16xi32>
      %eq3A_132 = arith.cmpi eq, %bitcast3A, %eq3A_131 : vector<16xi32>
      %le3A = vector.broadcast %reduce_sum3A_18 : i32 to vector<16xi32>
      %le3A_133 = arith.cmpi sle, %add3A_129, %le3A : vector<16xi32>
      %and3A_134 = arith.andi %eq3A_132, %le3A_133 : vector<16xi1>
      %or3A = arith.ori %gt3A_130, %and3A_134 : vector<16xi1>
      %swap3A_135 = arith.index_cast %scan3A_120 : i32 to index
      %swap3A_136 = tpu.vector_load %arg9[%swap3A_135] masked %or3A {strides = array<i32>} : memref<8256xi32, #tpu.memory_space<vmem>>, vector<16xi32>, vector<16xi1>
      tpu.vector_store %arg9[%swap3A_135], %add3A_129 masked %or3A {strides = array<i32>} : memref<8256xi32, #tpu.memory_space<vmem>>, vector<16xi32>, vector<16xi1>
      %swap3A_137 = arith.index_cast %scan3A_120 : i32 to index
      %swap3A_138 = tpu.vector_load %arg10[%swap3A_137] masked %or3A {strides = array<i32>} : memref<8256xf32, #tpu.memory_space<vmem>>, vector<16xf32>, vector<16xi1>
      tpu.vector_store %arg10[%swap3A_137], %get3A_124 masked %or3A {strides = array<i32>} : memref<8256xf32, #tpu.memory_space<vmem>>, vector<16xf32>, vector<16xi1>
      %convert_element_type3A = arith.extui %or3A : vector<16xi1> to vector<16xi32>
      %reduce_sum3A_139 = arith.constant true
      %reduce_sum3A_140 = vector.broadcast %reduce_sum3A_139 : i1 to vector<16xi1>
      %reduce_sum3A_141 = tpu.scan <sum>, %convert_element_type3A masked %reduce_sum3A_140 : vector<16xi32>, vector<16xi1> -> vector<16xi32>
      %reduce_sum3A_142 = vector.extract %reduce_sum3A_141[15] : i32 from vector<16xi32>
      %add3A_143 = arith.addi %scan3A_120, %reduce_sum3A_142 : i32
      scf.yield %add3A_143 : i32
    }
    %scan3A_51 = arith.constant 512 : i32
    %broadcast_in_dim3A_52 = arith.constant 0 : i32
    %broadcast_in_dim3A_53 = vector.broadcast %broadcast_in_dim3A_52 : i32 to vector<16xi32>
    %broadcast_in_dim3A_54 = arith.constant -1.000000e+30 : f32
    %broadcast_in_dim3A_55 = vector.broadcast %broadcast_in_dim3A_54 : f32 to vector<16xf32>
    %add3A_56 = arith.constant 0 : i32
    %add3A_57 = arith.addi %scan3A_50, %add3A_56 : i32
    %swap3A = arith.index_cast %add3A_57 : i32 to index
    %swap3A_58 = tpu.vector_load %arg9[%swap3A] {strides = array<i32>} : memref<8256xi32, #tpu.memory_space<vmem>>, vector<16xi32>,
    tpu.vector_store %arg9[%swap3A], %broadcast_in_dim3A_53 {strides = array<i32>} : memref<8256xi32, #tpu.memory_space<vmem>>, vector<16xi32>,
    %add3A_59 = arith.constant 0 : i32
    %add3A_60 = arith.addi %scan3A_50, %add3A_59 : i32
    %swap3A_61 = arith.index_cast %add3A_60 : i32 to index
    %swap3A_62 = tpu.vector_load %arg10[%swap3A_61] {strides = array<i32>} : memref<8256xf32, #tpu.memory_space<vmem>>, vector<16xf32>,
    tpu.vector_store %arg10[%swap3A_61], %broadcast_in_dim3A_55 {strides = array<i32>} : memref<8256xf32, #tpu.memory_space<vmem>>, vector<16xf32>,
    %add3A_63 = arith.constant 16 : i32
    %add3A_64 = arith.addi %scan3A_50, %add3A_63 : i32
    %swap3A_65 = arith.index_cast %add3A_64 : i32 to index
    %swap3A_66 = tpu.vector_load %arg9[%swap3A_65] {strides = array<i32>} : memref<8256xi32, #tpu.memory_space<vmem>>, vector<16xi32>,
    tpu.vector_store %arg9[%swap3A_65], %broadcast_in_dim3A_53 {strides = array<i32>} : memref<8256xi32, #tpu.memory_space<vmem>>, vector<16xi32>,
    %add3A_67 = arith.constant 16 : i32
    %add3A_68 = arith.addi %scan3A_50, %add3A_67 : i32
    %swap3A_69 = arith.index_cast %add3A_68 : i32 to index
    %swap3A_70 = tpu.vector_load %arg10[%swap3A_69] {strides = array<i32>} : memref<8256xf32, #tpu.memory_space<vmem>>, vector<16xf32>,
    tpu.vector_store %arg10[%swap3A_69], %broadcast_in_dim3A_55 {strides = array<i32>} : memref<8256xf32, #tpu.memory_space<vmem>>, vector<16xf32>,
    %add3A_71 = arith.constant 32 : i32
    %add3A_72 = arith.addi %scan3A_50, %add3A_71 : i32
    %swap3A_73 = arith.index_cast %add3A_72 : i32 to index
    %swap3A_74 = tpu.vector_load %arg9[%swap3A_73] {strides = array<i32>} : memref<8256xi32, #tpu.memory_space<vmem>>, vector<16xi32>,
    tpu.vector_store %arg9[%swap3A_73], %broadcast_in_dim3A_53 {strides = array<i32>} : memref<8256xi32, #tpu.memory_space<vmem>>, vector<16xi32>,
    %add3A_75 = arith.constant 32 : i32
    %add3A_76 = arith.addi %scan3A_50, %add3A_75 : i32
    %swap3A_77 = arith.index_cast %add3A_76 : i32 to index
    %swap3A_78 = tpu.vector_load %arg10[%swap3A_77] {strides = array<i32>} : memref<8256xf32, #tpu.memory_space<vmem>>, vector<16xf32>,
    tpu.vector_store %arg10[%swap3A_77], %broadcast_in_dim3A_55 {strides = array<i32>} : memref<8256xf32, #tpu.memory_space<vmem>>, vector<16xf32>,
    %add3A_79 = arith.constant 48 : i32
    %add3A_80 = arith.addi %scan3A_50, %add3A_79 : i32
    %swap3A_81 = arith.index_cast %add3A_80 : i32 to index
    %swap3A_82 = tpu.vector_load %arg9[%swap3A_81] {strides = array<i32>} : memref<8256xi32, #tpu.memory_space<vmem>>, vector<16xi32>,
    tpu.vector_store %arg9[%swap3A_81], %broadcast_in_dim3A_53 {strides = array<i32>} : memref<8256xi32, #tpu.memory_space<vmem>>, vector<16xi32>,
    %add3A_83 = arith.constant 48 : i32
    %add3A_84 = arith.addi %scan3A_50, %add3A_83 : i32
    %swap3A_85 = arith.index_cast %add3A_84 : i32 to index
    %swap3A_86 = tpu.vector_load %arg10[%swap3A_85] {strides = array<i32>} : memref<8256xf32, #tpu.memory_space<vmem>>, vector<16xf32>,
    tpu.vector_store %arg10[%swap3A_85], %broadcast_in_dim3A_55 {strides = array<i32>} : memref<8256xf32, #tpu.memory_space<vmem>>, vector<16xf32>,
    %add3A_87 = arith.constant 63 : i32
    %add3A_88 = arith.addi %scan3A_50, %add3A_87 : i32
    %jit3A_89 = arith.constant 64 : i32
    %div3A = arith.divsi %add3A_88, %jit3A_89 : i32
    %sign3A = arith.constant 0 : i32
    %sign3A_90 = arith.cmpi sgt, %add3A_88, %sign3A : i32
    %sign3A_91 = arith.extui %sign3A_90 : i1 to i32
    %sign3A_92 = arith.constant 0 : i32
    %sign3A_93 = arith.cmpi slt, %add3A_88, %sign3A_92 : i32
    %sign3A_94 = arith.extui %sign3A_93 : i1 to i32
    %sign3A_95 = arith.subi %sign3A_91, %sign3A_94 : i32
    %sign3A_96 = arith.constant 0 : i32
    %sign3A_97 = arith.cmpi sgt, %jit3A_89, %sign3A_96 : i32
    %sign3A_98 = arith.extui %sign3A_97 : i1 to i32
    %sign3A_99 = arith.constant 0 : i32
    %sign3A_100 = arith.cmpi slt, %jit3A_89, %sign3A_99 : i32
    %sign3A_101 = arith.extui %sign3A_100 : i1 to i32
    %sign3A_102 = arith.subi %sign3A_98, %sign3A_101 : i32
    %ne3A = arith.cmpi ne, %sign3A_95, %sign3A_102 : i32
    %rem3A = arith.remsi %add3A_88, %jit3A_89 : i32
    %ne3A_103 = arith.constant 0 : i32
    %ne3A_104 = arith.cmpi ne, %rem3A, %ne3A_103 : i32
    %and3A = arith.andi %ne3A, %ne3A_104 : i1
    %sub3A_105 = arith.constant 1 : i32
    %sub3A_106 = arith.subi %div3A, %sub3A_105 : i32
    %select_n3A_107 = arith.select %and3A, %sub3A_106, %div3A : i32
    %while3A = arith.constant 0 : i32
    %while3A_108 = arith.constant 0 : i32
    %while3A_109 = arith.subi %select_n3A_107, %while3A : i32
    %while3A_110 = arith.addi %while3A, %while3A_109 : i32
    %while3A_111 = arith.constant 1 : i32
    %while3A_112 = arith.divsi %while3A_109, %while3A_111 : i32
    %while3A_113 = arith.muli %while3A_112, %while3A_111 : i32
    %while3A_114 = arith.addi %while3A, %while3A_113 : i32
    %while3A_115 = arith.constant 1 : i32
    %while3A_116 = scf.for %while3A_119 = %while3A to %while3A_114 step %while3A_115 iter_args(%while3A_120 = %while3A_108) -> (i32)  : i32 {
      %mul3A_121 = arith.constant 64 : i32
      %mul3A_122 = arith.muli %while3A_119, %mul3A_121 : i32
      %multiple_of3A_123 = tpu.assume_multiple %mul3A_122, 64 : i32
      %mul3A_124 = arith.constant 64 : i32
      %mul3A_125 = arith.muli %while3A_119, %mul3A_124 : i32
      %add3A_126 = arith.addi %select_n3A_43, %mul3A_125 : i32
      %multiple_of3A_127 = tpu.assume_multiple %add3A_126, 64 : i32
      "tpu.region"() ({
        %run_scoped3A = tpu.sem_alloc : memref<!tpu.dma_semaphore, #tpu.memory_space<semaphore_mem>>
        %dma_start3A_165 = tpu.memref_slice %arg10[%multiple_of3A_123] : memref<8256xf32, #tpu.memory_space<vmem>> -> memref<64xf32, #tpu.memory_space<vmem>>
        %dma_start3A_166 = tpu.memref_slice %arg6[%multiple_of3A_127] : memref<8192xf32, #tpu.memory_space<hbm>> -> memref<64xf32, #tpu.memory_space<hbm>>
        %dma_start3A_167 = tpu.memref_slice %arg6[%multiple_of3A_127] : memref<8192xf32, #tpu.memory_space<hbm>> -> memref<64xf32, #tpu.memory_space<hbm>>
        %dma_start3A_168 = tpu.memref_slice %arg10[%multiple_of3A_123] : memref<8256xf32, #tpu.memory_space<vmem>> -> memref<64xf32, #tpu.memory_space<vmem>>
        tpu.enqueue_dma source(%dma_start3A_168 : memref<64xf32, #tpu.memory_space<vmem>>) target(%dma_start3A_167 : memref<64xf32, #tpu.memory_space<hbm>>) target_semaphore(%run_scoped3A : memref<!tpu.dma_semaphore, #tpu.memory_space<semaphore_mem>>)
        %dma_wait3A_169 = tpu.memref_slice %arg10[%multiple_of3A_123] : memref<8256xf32, #tpu.memory_space<vmem>> -> memref<64xf32, #tpu.memory_space<vmem>>
        %dma_wait3A_170 = tpu.memref_slice %arg6[%multiple_of3A_127] : memref<8192xf32, #tpu.memory_space<hbm>> -> memref<64xf32, #tpu.memory_space<hbm>>
        %dma_wait3A_171 = tpu.memref_slice %arg6[%multiple_of3A_127] : memref<8192xf32, #tpu.memory_space<hbm>> -> memref<64xf32, #tpu.memory_space<hbm>>
        %dma_wait3A_172 = tpu.memref_slice %arg10[%multiple_of3A_123] : memref<8256xf32, #tpu.memory_space<vmem>> -> memref<64xf32, #tpu.memory_space<vmem>>
        tpu.wait_dma2 semaphore(%run_scoped3A : memref<!tpu.dma_semaphore, #tpu.memory_space<semaphore_mem>>) src(%dma_wait3A_172 : memref<64xf32, #tpu.memory_space<vmem>>) dst(%dma_wait3A_171 : memref<64xf32, #tpu.memory_space<hbm>>)
        tpu.yield
      }) : () -> ()
      %mul3A_128 = arith.constant 64 : i32
      %mul3A_129 = arith.muli %while3A_119, %mul3A_128 : i32
      %add3A_130 = arith.constant 0 : i32
      %add3A_131 = arith.addi %mul3A_129, %add3A_130 : i32
      %get3A_132 = arith.index_cast %add3A_131 : i32 to index
      %get3A_133 = tpu.vector_load %arg9[%get3A_132] {strides = array<i32>} : memref<8256xi32, #tpu.memory_space<vmem>>, vector<16xi32>,
      %swap3A_134 = arith.constant 0 : index
      %swap3A_135 = tpu.vector_load %arg11[%swap3A_134] {strides = array<i32>} : memref<64xi32, #tpu.memory_space<vmem>>, vector<16xi32>,
      tpu.vector_store %arg11[%swap3A_134], %get3A_133 {strides = array<i32>} : memref<64xi32, #tpu.memory_space<vmem>>, vector<16xi32>,
      %mul3A_136 = arith.constant 64 : i32
      %mul3A_137 = arith.muli %while3A_119, %mul3A_136 : i32
      %add3A_138 = arith.constant 16 : i32
      %add3A_139 = arith.addi %mul3A_137, %add3A_138 : i32
      %get3A_140 = arith.index_cast %add3A_139 : i32 to index
      %get3A_141 = tpu.vector_load %arg9[%get3A_140] {strides = array<i32>} : memref<8256xi32, #tpu.memory_space<vmem>>, vector<16xi32>,
      %swap3A_142 = arith.constant 16 : index
      %swap3A_143 = tpu.vector_load %arg11[%swap3A_142] {strides = array<i32>} : memref<64xi32, #tpu.memory_space<vmem>>, vector<16xi32>,
      tpu.vector_store %arg11[%swap3A_142], %get3A_141 {strides = array<i32>} : memref<64xi32, #tpu.memory_space<vmem>>, vector<16xi32>,
      %mul3A_144 = arith.constant 64 : i32
      %mul3A_145 = arith.muli %while3A_119, %mul3A_144 : i32
      %add3A_146 = arith.constant 32 : i32
      %add3A_147 = arith.addi %mul3A_145, %add3A_146 : i32
      %get3A_148 = arith.index_cast %add3A_147 : i32 to index
      %get3A_149 = tpu.vector_load %arg9[%get3A_148] {strides = array<i32>} : memref<8256xi32, #tpu.memory_space<vmem>>, vector<16xi32>,
      %swap3A_150 = arith.constant 32 : index
      %swap3A_151 = tpu.vector_load %arg11[%swap3A_150] {strides = array<i32>} : memref<64xi32, #tpu.memory_space<vmem>>, vector<16xi32>,
      tpu.vector_store %arg11[%swap3A_150], %get3A_149 {strides = array<i32>} : memref<64xi32, #tpu.memory_space<vmem>>, vector<16xi32>,
      %mul3A_152 = arith.constant 64 : i32
      %mul3A_153 = arith.muli %while3A_119, %mul3A_152 : i32
      %add3A_154 = arith.constant 48 : i32
      %add3A_155 = arith.addi %mul3A_153, %add3A_154 : i32
      %get3A_156 = arith.index_cast %add3A_155 : i32 to index
      %get3A_157 = tpu.vector_load %arg9[%get3A_156] {strides = array<i32>} : memref<8256xi32, #tpu.memory_space<vmem>>, vector<16xi32>,
      %swap3A_158 = arith.constant 48 : index
      %swap3A_159 = tpu.vector_load %arg11[%swap3A_158] {strides = array<i32>} : memref<64xi32, #tpu.memory_space<vmem>>, vector<16xi32>,
      tpu.vector_store %arg11[%swap3A_158], %get3A_157 {strides = array<i32>} : memref<64xi32, #tpu.memory_space<vmem>>, vector<16xi32>,
      %dma_start3A = arith.constant 0 : i32
      %dma_start3A_160 = arith.constant 0 : i32
      %dma_start3A_161 = tpu.memref_slice %arg3[%dma_start3A, %dma_start3A_160] : memref<262144x16xf32, #tpu.memory_space<hbm>> -> memref<262144x16xf32, #tpu.memory_space<hbm>>
      tpu.enqueue_indirect_dma source(%dma_start3A_161 : memref<262144x16xf32, #tpu.memory_space<hbm>>) target(%arg12 : memref<64x16xf32, #tpu.memory_space<vmem>>) offsets(%arg11 : memref<64xi32, #tpu.memory_space<vmem>>) semaphore(%arg15 : memref<!tpu.dma_semaphore, #tpu.memory_space<semaphore_mem>>)
      %dma_wait3A = arith.constant 0 : i32
      %dma_wait3A_162 = arith.constant 0 : i32
      %dma_wait3A_163 = tpu.memref_slice %arg3[%dma_wait3A, %dma_wait3A_162] : memref<262144x16xf32, #tpu.memory_space<hbm>> -> memref<262144x16xf32, #tpu.memory_space<hbm>>
      tpu.wait_indirect_dma semaphore(%arg15 : memref<!tpu.dma_semaphore, #tpu.memory_space<semaphore_mem>>) src(%dma_wait3A_163 : memref<262144x16xf32, #tpu.memory_space<hbm>>) dst(%arg12 : memref<64x16xf32, #tpu.memory_space<vmem>>)
      "tpu.region"() ({
        %run_scoped3A = tpu.sem_alloc : memref<!tpu.dma_semaphore, #tpu.memory_space<semaphore_mem>>
        %dma_start3A_165 = arith.constant 0 : i32
        %dma_start3A_166 = tpu.memref_slice %arg7[%multiple_of3A_127, %dma_start3A_165] : memref<8192x16xf32, #tpu.memory_space<hbm>> -> memref<64x16xf32, #tpu.memory_space<hbm>>
        %dma_start3A_167 = arith.constant 0 : i32
        %dma_start3A_168 = tpu.memref_slice %arg7[%multiple_of3A_127, %dma_start3A_167] : memref<8192x16xf32, #tpu.memory_space<hbm>> -> memref<64x16xf32, #tpu.memory_space<hbm>>
        tpu.enqueue_dma source(%arg12 : memref<64x16xf32, #tpu.memory_space<vmem>>) target(%dma_start3A_168 : memref<64x16xf32, #tpu.memory_space<hbm>>) target_semaphore(%run_scoped3A : memref<!tpu.dma_semaphore, #tpu.memory_space<semaphore_mem>>)
        %dma_wait3A_169 = arith.constant 0 : i32
        %dma_wait3A_170 = tpu.memref_slice %arg7[%multiple_of3A_127, %dma_wait3A_169] : memref<8192x16xf32, #tpu.memory_space<hbm>> -> memref<64x16xf32, #tpu.memory_space<hbm>>
        %dma_wait3A_171 = arith.constant 0 : i32
        %dma_wait3A_172 = tpu.memref_slice %arg7[%multiple_of3A_127, %dma_wait3A_171] : memref<8192x16xf32, #tpu.memory_space<hbm>> -> memref<64x16xf32, #tpu.memory_space<hbm>>
        tpu.wait_dma2 semaphore(%run_scoped3A : memref<!tpu.dma_semaphore, #tpu.memory_space<semaphore_mem>>) src(%arg12 : memref<64x16xf32, #tpu.memory_space<vmem>>) dst(%dma_wait3A_172 : memref<64x16xf32, #tpu.memory_space<hbm>>)
        tpu.yield
      }) : () -> ()
      %while3A_164 = arith.constant 0 : i32
      scf.yield %while3A_164 : i32
    }
    %while3A_117 = arith.constant 1 : i32
    %while3A_118 = scf.for %while3A_119 = %while3A_114 to %while3A_110 step %while3A_117 iter_args(%while3A_120 = %while3A_116) -> (i32)  : i32 {
      %mul3A_121 = arith.constant 64 : i32
      %mul3A_122 = arith.muli %while3A_119, %mul3A_121 : i32
      %multiple_of3A_123 = tpu.assume_multiple %mul3A_122, 64 : i32
      %mul3A_124 = arith.constant 64 : i32
      %mul3A_125 = arith.muli %while3A_119, %mul3A_124 : i32
      %add3A_126 = arith.addi %select_n3A_43, %mul3A_125 : i32
      %multiple_of3A_127 = tpu.assume_multiple %add3A_126, 64 : i32
      "tpu.region"() ({
        %run_scoped3A = tpu.sem_alloc : memref<!tpu.dma_semaphore, #tpu.memory_space<semaphore_mem>>
        %dma_start3A_165 = tpu.memref_slice %arg10[%multiple_of3A_123] : memref<8256xf32, #tpu.memory_space<vmem>> -> memref<64xf32, #tpu.memory_space<vmem>>
        %dma_start3A_166 = tpu.memref_slice %arg6[%multiple_of3A_127] : memref<8192xf32, #tpu.memory_space<hbm>> -> memref<64xf32, #tpu.memory_space<hbm>>
        %dma_start3A_167 = tpu.memref_slice %arg6[%multiple_of3A_127] : memref<8192xf32, #tpu.memory_space<hbm>> -> memref<64xf32, #tpu.memory_space<hbm>>
        %dma_start3A_168 = tpu.memref_slice %arg10[%multiple_of3A_123] : memref<8256xf32, #tpu.memory_space<vmem>> -> memref<64xf32, #tpu.memory_space<vmem>>
        tpu.enqueue_dma source(%dma_start3A_168 : memref<64xf32, #tpu.memory_space<vmem>>) target(%dma_start3A_167 : memref<64xf32, #tpu.memory_space<hbm>>) target_semaphore(%run_scoped3A : memref<!tpu.dma_semaphore, #tpu.memory_space<semaphore_mem>>)
        %dma_wait3A_169 = tpu.memref_slice %arg10[%multiple_of3A_123] : memref<8256xf32, #tpu.memory_space<vmem>> -> memref<64xf32, #tpu.memory_space<vmem>>
        %dma_wait3A_170 = tpu.memref_slice %arg6[%multiple_of3A_127] : memref<8192xf32, #tpu.memory_space<hbm>> -> memref<64xf32, #tpu.memory_space<hbm>>
        %dma_wait3A_171 = tpu.memref_slice %arg6[%multiple_of3A_127] : memref<8192xf32, #tpu.memory_space<hbm>> -> memref<64xf32, #tpu.memory_space<hbm>>
        %dma_wait3A_172 = tpu.memref_slice %arg10[%multiple_of3A_123] : memref<8256xf32, #tpu.memory_space<vmem>> -> memref<64xf32, #tpu.memory_space<vmem>>
        tpu.wait_dma2 semaphore(%run_scoped3A : memref<!tpu.dma_semaphore, #tpu.memory_space<semaphore_mem>>) src(%dma_wait3A_172 : memref<64xf32, #tpu.memory_space<vmem>>) dst(%dma_wait3A_171 : memref<64xf32, #tpu.memory_space<hbm>>)
        tpu.yield
      }) : () -> ()
      %mul3A_128 = arith.constant 64 : i32
      %mul3A_129 = arith.muli %while3A_119, %mul3A_128 : i32
      %add3A_130 = arith.constant 0 : i32
      %add3A_131 = arith.addi %mul3A_129, %add3A_130 : i32
      %get3A_132 = arith.index_cast %add3A_131 : i32 to index
      %get3A_133 = tpu.vector_load %arg9[%get3A_132] {strides = array<i32>} : memref<8256xi32, #tpu.memory_space<vmem>>, vector<16xi32>,
      %swap3A_134 = arith.constant 0 : index
      %swap3A_135 = tpu.vector_load %arg11[%swap3A_134] {strides = array<i32>} : memref<64xi32, #tpu.memory_space<vmem>>, vector<16xi32>,
      tpu.vector_store %arg11[%swap3A_134], %get3A_133 {strides = array<i32>} : memref<64xi32, #tpu.memory_space<vmem>>, vector<16xi32>,
      %mul3A_136 = arith.constant 64 : i32
      %mul3A_137 = arith.muli %while3A_119, %mul3A_136 : i32
      %add3A_138 = arith.constant 16 : i32
      %add3A_139 = arith.addi %mul3A_137, %add3A_138 : i32
      %get3A_140 = arith.index_cast %add3A_139 : i32 to index
      %get3A_141 = tpu.vector_load %arg9[%get3A_140] {strides = array<i32>} : memref<8256xi32, #tpu.memory_space<vmem>>, vector<16xi32>,
      %swap3A_142 = arith.constant 16 : index
      %swap3A_143 = tpu.vector_load %arg11[%swap3A_142] {strides = array<i32>} : memref<64xi32, #tpu.memory_space<vmem>>, vector<16xi32>,
      tpu.vector_store %arg11[%swap3A_142], %get3A_141 {strides = array<i32>} : memref<64xi32, #tpu.memory_space<vmem>>, vector<16xi32>,
      %mul3A_144 = arith.constant 64 : i32
      %mul3A_145 = arith.muli %while3A_119, %mul3A_144 : i32
      %add3A_146 = arith.constant 32 : i32
      %add3A_147 = arith.addi %mul3A_145, %add3A_146 : i32
      %get3A_148 = arith.index_cast %add3A_147 : i32 to index
      %get3A_149 = tpu.vector_load %arg9[%get3A_148] {strides = array<i32>} : memref<8256xi32, #tpu.memory_space<vmem>>, vector<16xi32>,
      %swap3A_150 = arith.constant 32 : index
      %swap3A_151 = tpu.vector_load %arg11[%swap3A_150] {strides = array<i32>} : memref<64xi32, #tpu.memory_space<vmem>>, vector<16xi32>,
      tpu.vector_store %arg11[%swap3A_150], %get3A_149 {strides = array<i32>} : memref<64xi32, #tpu.memory_space<vmem>>, vector<16xi32>,
      %mul3A_152 = arith.constant 64 : i32
      %mul3A_153 = arith.muli %while3A_119, %mul3A_152 : i32
      %add3A_154 = arith.constant 48 : i32
      %add3A_155 = arith.addi %mul3A_153, %add3A_154 : i32
      %get3A_156 = arith.index_cast %add3A_155 : i32 to index
      %get3A_157 = tpu.vector_load %arg9[%get3A_156] {strides = array<i32>} : memref<8256xi32, #tpu.memory_space<vmem>>, vector<16xi32>,
      %swap3A_158 = arith.constant 48 : index
      %swap3A_159 = tpu.vector_load %arg11[%swap3A_158] {strides = array<i32>} : memref<64xi32, #tpu.memory_space<vmem>>, vector<16xi32>,
      tpu.vector_store %arg11[%swap3A_158], %get3A_157 {strides = array<i32>} : memref<64xi32, #tpu.memory_space<vmem>>, vector<16xi32>,
      %dma_start3A = arith.constant 0 : i32
      %dma_start3A_160 = arith.constant 0 : i32
      %dma_start3A_161 = tpu.memref_slice %arg3[%dma_start3A, %dma_start3A_160] : memref<262144x16xf32, #tpu.memory_space<hbm>> -> memref<262144x16xf32, #tpu.memory_space<hbm>>
      tpu.enqueue_indirect_dma source(%dma_start3A_161 : memref<262144x16xf32, #tpu.memory_space<hbm>>) target(%arg12 : memref<64x16xf32, #tpu.memory_space<vmem>>) offsets(%arg11 : memref<64xi32, #tpu.memory_space<vmem>>) semaphore(%arg15 : memref<!tpu.dma_semaphore, #tpu.memory_space<semaphore_mem>>)
      %dma_wait3A = arith.constant 0 : i32
      %dma_wait3A_162 = arith.constant 0 : i32
      %dma_wait3A_163 = tpu.memref_slice %arg3[%dma_wait3A, %dma_wait3A_162] : memref<262144x16xf32, #tpu.memory_space<hbm>> -> memref<262144x16xf32, #tpu.memory_space<hbm>>
      tpu.wait_indirect_dma semaphore(%arg15 : memref<!tpu.dma_semaphore, #tpu.memory_space<semaphore_mem>>) src(%dma_wait3A_163 : memref<262144x16xf32, #tpu.memory_space<hbm>>) dst(%arg12 : memref<64x16xf32, #tpu.memory_space<vmem>>)
      "tpu.region"() ({
        %run_scoped3A = tpu.sem_alloc : memref<!tpu.dma_semaphore, #tpu.memory_space<semaphore_mem>>
        %dma_start3A_165 = arith.constant 0 : i32
        %dma_start3A_166 = tpu.memref_slice %arg7[%multiple_of3A_127, %dma_start3A_165] : memref<8192x16xf32, #tpu.memory_space<hbm>> -> memref<64x16xf32, #tpu.memory_space<hbm>>
        %dma_start3A_167 = arith.constant 0 : i32
        %dma_start3A_168 = tpu.memref_slice %arg7[%multiple_of3A_127, %dma_start3A_167] : memref<8192x16xf32, #tpu.memory_space<hbm>> -> memref<64x16xf32, #tpu.memory_space<hbm>>
        tpu.enqueue_dma source(%arg12 : memref<64x16xf32, #tpu.memory_space<vmem>>) target(%dma_start3A_168 : memref<64x16xf32, #tpu.memory_space<hbm>>) target_semaphore(%run_scoped3A : memref<!tpu.dma_semaphore, #tpu.memory_space<semaphore_mem>>)
        %dma_wait3A_169 = arith.constant 0 : i32
        %dma_wait3A_170 = tpu.memref_slice %arg7[%multiple_of3A_127, %dma_wait3A_169] : memref<8192x16xf32, #tpu.memory_space<hbm>> -> memref<64x16xf32, #tpu.memory_space<hbm>>
        %dma_wait3A_171 = arith.constant 0 : i32
        %dma_wait3A_172 = tpu.memref_slice %arg7[%multiple_of3A_127, %dma_wait3A_171] : memref<8192x16xf32, #tpu.memory_space<hbm>> -> memref<64x16xf32, #tpu.memory_space<hbm>>
        tpu.wait_dma2 semaphore(%run_scoped3A : memref<!tpu.dma_semaphore, #tpu.memory_space<semaphore_mem>>) src(%arg12 : memref<64x16xf32, #tpu.memory_space<vmem>>) dst(%dma_wait3A_172 : memref<64x16xf32, #tpu.memory_space<hbm>>)
        tpu.yield
      }) : () -> ()
      %while3A_164 = arith.constant 0 : i32
      scf.yield %while3A_164 : i32
    }
    return
  }
}

module attributes {stable_mosaic.version = 14 : i64} {
  func.func @_threshold_body(%arg0: memref<2048x128xf32, #tpu.memory_space<vmem>>, %arg1: memref<16xi32, #tpu.memory_space<smem>>, %arg2: memref<32xi32, #tpu.memory_space<smem>>) attributes {dimension_semantics = [], scalar_prefetch = 0 : i64, scratch_operands = 0 : i64, tpu.core_type = #tpu.core_type<tc>} {
    %get3A = arith.constant 0 : index
    %get3A_0 = arith.constant 0 : index
    %get3A_1 = vector.load %arg0[%get3A, %get3A_0] : memref<2048x128xf32, #tpu.memory_space<vmem>>, vector<2048x128xf32>
    %bitcast_convert_type3A = tpu.bitcast %get3A_1 : vector<2048x128xf32> -> vector<2048x128xi32>
    %iota3A = tpu.iota {dimensions = array<i32: 0>} : vector<2048x128xi32>
    %mul3A = arith.constant 128 : i32
    %mul3A_2 = vector.broadcast %mul3A : i32 to vector<2048x128xi32>
    %mul3A_3 = arith.muli %iota3A, %mul3A_2 : vector<2048x128xi32>
    %iota3A_4 = tpu.iota {dimensions = array<i32: 1>} : vector<2048x128xi32>
    %add3A = arith.addi %mul3A_3, %iota3A_4 : vector<2048x128xi32>
    %scan3A = arith.constant 0 : i32
    %scan3A_5 = arith.constant 1065353217 : i32
    %scan3A_6 = arith.constant 0 : i32
    %scan3A_7 = arith.constant 31 : i32
    %scan3A_8 = arith.addi %scan3A_6, %scan3A_7 : i32
    %scan3A_9 = arith.constant 1 : i32
    %scan3A_10:2 = scf.for %scan3A_1252 = %scan3A_6 to %scan3A_8 step %scan3A_9 iter_args(%scan3A_1253 = %scan3A, %scan3A_1254 = %scan3A_5) -> (i32, i32)  : i32 {
      %add3A_1255 = arith.addi %scan3A_1253, %scan3A_1254 : i32
      %jit3A_1256 = arith.constant 2 : i32
      %div3A_1257 = arith.divsi %add3A_1255, %jit3A_1256 : i32
      %sign3A_1258 = arith.constant 0 : i32
      %sign3A_1259 = arith.cmpi sgt, %add3A_1255, %sign3A_1258 : i32
      %sign3A_1260 = arith.extui %sign3A_1259 : i1 to i32
      %sign3A_1261 = arith.constant 0 : i32
      %sign3A_1262 = arith.cmpi slt, %add3A_1255, %sign3A_1261 : i32
      %sign3A_1263 = arith.extui %sign3A_1262 : i1 to i32
      %sign3A_1264 = arith.subi %sign3A_1260, %sign3A_1263 : i32
      %sign3A_1265 = arith.constant 0 : i32
      %sign3A_1266 = arith.cmpi sgt, %jit3A_1256, %sign3A_1265 : i32
      %sign3A_1267 = arith.extui %sign3A_1266 : i1 to i32
      %sign3A_1268 = arith.constant 0 : i32
      %sign3A_1269 = arith.cmpi slt, %jit3A_1256, %sign3A_1268 : i32
      %sign3A_1270 = arith.extui %sign3A_1269 : i1 to i32
      %sign3A_1271 = arith.subi %sign3A_1267, %sign3A_1270 : i32
      %ne3A_1272 = arith.cmpi ne, %sign3A_1264, %sign3A_1271 : i32
      %rem3A_1273 = arith.remsi %add3A_1255, %jit3A_1256 : i32
      %ne3A_1274 = arith.constant 0 : i32
      %ne3A_1275 = arith.cmpi ne, %rem3A_1273, %ne3A_1274 : i32
      %and3A_1276 = arith.andi %ne3A_1272, %ne3A_1275 : i1
      %sub3A_1277 = arith.constant 1 : i32
      %sub3A_1278 = arith.subi %div3A_1257, %sub3A_1277 : i32
      %select_n3A_1279 = arith.select %and3A_1276, %sub3A_1278, %div3A_1257 : i32
      %ge3A = vector.broadcast %select_n3A_1279 : i32 to vector<2048x128xi32>
      %ge3A_1280 = arith.cmpi sge, %bitcast_convert_type3A, %ge3A : vector<2048x128xi32>
      %convert_element_type3A_1281 = arith.extui %ge3A_1280 : vector<2048x128xi1> to vector<2048x128xi32>
      %reduce_sum3A_1282 = vector.shape_cast %convert_element_type3A_1281 : vector<2048x128xi32> to vector<1x2048x128xi32>
      %reduce_sum3A_1283 = arith.constant dense<0> : vector<1xi32>
      %reduce_sum3A_1284 = vector.multi_reduction <add>, %reduce_sum3A_1282, %reduce_sum3A_1283 [1, 2] : vector<1x2048x128xi32> to vector<1xi32>
      %reduce_sum3A_1285 = vector.shape_cast %reduce_sum3A_1284 : vector<1xi32> to vector<1x1x1xi32>
      %reduce_sum3A_1286 = vector.extract %reduce_sum3A_1285[0, 0, 0] : i32 from vector<1x1x1xi32>
      %ge3A_1287 = arith.constant 6000 : i32
      %ge3A_1288 = arith.cmpi sge, %reduce_sum3A_1286, %ge3A_1287 : i32
      %select_n3A_1289 = arith.select %ge3A_1288, %select_n3A_1279, %scan3A_1253 : i32
      %select_n3A_1290 = arith.select %ge3A_1288, %scan3A_1254, %select_n3A_1279 : i32
      scf.yield %select_n3A_1289, %select_n3A_1290 : i32, i32
    }
    %gt3A = vector.broadcast %scan3A_10#0 : i32 to vector<2048x128xi32>
    %gt3A_11 = arith.cmpi sgt, %bitcast_convert_type3A, %gt3A : vector<2048x128xi32>
    %convert_element_type3A = arith.extui %gt3A_11 : vector<2048x128xi1> to vector<2048x128xi32>
    %reduce_sum3A = vector.shape_cast %convert_element_type3A : vector<2048x128xi32> to vector<1x2048x128xi32>
    %reduce_sum3A_12 = arith.constant dense<0> : vector<1xi32>
    %reduce_sum3A_13 = vector.multi_reduction <add>, %reduce_sum3A, %reduce_sum3A_12 [1, 2] : vector<1x2048x128xi32> to vector<1xi32>
    %reduce_sum3A_14 = vector.shape_cast %reduce_sum3A_13 : vector<1xi32> to vector<1x1x1xi32>
    %reduce_sum3A_15 = vector.extract %reduce_sum3A_14[0, 0, 0] : i32 from vector<1x1x1xi32>
    %sub3A = arith.constant 6000 : i32
    %sub3A_16 = arith.subi %sub3A, %reduce_sum3A_15 : i32
    %eq3A = vector.broadcast %scan3A_10#0 : i32 to vector<2048x128xi32>
    %eq3A_17 = arith.cmpi eq, %bitcast_convert_type3A, %eq3A : vector<2048x128xi32>
    %scan3A_18 = arith.constant -1 : i32
    %scan3A_19 = arith.constant 262143 : i32
    %scan3A_20 = arith.constant 0 : i32
    %scan3A_21 = arith.constant 19 : i32
    %scan3A_22 = arith.addi %scan3A_20, %scan3A_21 : i32
    %scan3A_23 = arith.constant 1 : i32
    %scan3A_24:2 = scf.for %scan3A_1252 = %scan3A_20 to %scan3A_22 step %scan3A_23 iter_args(%scan3A_1253 = %scan3A_18, %scan3A_1254 = %scan3A_19) -> (i32, i32)  : i32 {
      %add3A_1255 = arith.addi %scan3A_1253, %scan3A_1254 : i32
      %jit3A_1256 = arith.constant 2 : i32
      %div3A_1257 = arith.divsi %add3A_1255, %jit3A_1256 : i32
      %sign3A_1258 = arith.constant 0 : i32
      %sign3A_1259 = arith.cmpi sgt, %add3A_1255, %sign3A_1258 : i32
      %sign3A_1260 = arith.extui %sign3A_1259 : i1 to i32
      %sign3A_1261 = arith.constant 0 : i32
      %sign3A_1262 = arith.cmpi slt, %add3A_1255, %sign3A_1261 : i32
      %sign3A_1263 = arith.extui %sign3A_1262 : i1 to i32
      %sign3A_1264 = arith.subi %sign3A_1260, %sign3A_1263 : i32
      %sign3A_1265 = arith.constant 0 : i32
      %sign3A_1266 = arith.cmpi sgt, %jit3A_1256, %sign3A_1265 : i32
      %sign3A_1267 = arith.extui %sign3A_1266 : i1 to i32
      %sign3A_1268 = arith.constant 0 : i32
      %sign3A_1269 = arith.cmpi slt, %jit3A_1256, %sign3A_1268 : i32
      %sign3A_1270 = arith.extui %sign3A_1269 : i1 to i32
      %sign3A_1271 = arith.subi %sign3A_1267, %sign3A_1270 : i32
      %ne3A_1272 = arith.cmpi ne, %sign3A_1264, %sign3A_1271 : i32
      %rem3A_1273 = arith.remsi %add3A_1255, %jit3A_1256 : i32
      %ne3A_1274 = arith.constant 0 : i32
      %ne3A_1275 = arith.cmpi ne, %rem3A_1273, %ne3A_1274 : i32
      %and3A_1276 = arith.andi %ne3A_1272, %ne3A_1275 : i1
      %sub3A_1277 = arith.constant 1 : i32
      %sub3A_1278 = arith.subi %div3A_1257, %sub3A_1277 : i32
      %select_n3A_1279 = arith.select %and3A_1276, %sub3A_1278, %div3A_1257 : i32
      %le3A_1280 = vector.broadcast %select_n3A_1279 : i32 to vector<2048x128xi32>
      %le3A_1281 = arith.cmpi sle, %add3A, %le3A_1280 : vector<2048x128xi32>
      %and3A_1282 = arith.andi %eq3A_17, %le3A_1281 : vector<2048x128xi1>
      %convert_element_type3A_1283 = arith.extui %and3A_1282 : vector<2048x128xi1> to vector<2048x128xi32>
      %reduce_sum3A_1284 = vector.shape_cast %convert_element_type3A_1283 : vector<2048x128xi32> to vector<1x2048x128xi32>
      %reduce_sum3A_1285 = arith.constant dense<0> : vector<1xi32>
      %reduce_sum3A_1286 = vector.multi_reduction <add>, %reduce_sum3A_1284, %reduce_sum3A_1285 [1, 2] : vector<1x2048x128xi32> to vector<1xi32>
      %reduce_sum3A_1287 = vector.shape_cast %reduce_sum3A_1286 : vector<1xi32> to vector<1x1x1xi32>
      %reduce_sum3A_1288 = vector.extract %reduce_sum3A_1287[0, 0, 0] : i32 from vector<1x1x1xi32>
      %ge3A = arith.cmpi sge, %reduce_sum3A_1288, %sub3A_16 : i32
      %select_n3A_1289 = arith.select %ge3A, %scan3A_1253, %select_n3A_1279 : i32
      %select_n3A_1290 = arith.select %ge3A, %select_n3A_1279, %scan3A_1254 : i32
      scf.yield %select_n3A_1289, %select_n3A_1290 : i32, i32
    }
    %gt3A_25 = vector.broadcast %scan3A_10#0 : i32 to vector<2048x128xi32>
    %gt3A_26 = arith.cmpi sgt, %bitcast_convert_type3A, %gt3A_25 : vector<2048x128xi32>
    %le3A = vector.broadcast %scan3A_24#1 : i32 to vector<2048x128xi32>
    %le3A_27 = arith.cmpi sle, %add3A, %le3A : vector<2048x128xi32>
    %and3A = arith.andi %eq3A_17, %le3A_27 : vector<2048x128xi1>
    %or3A = arith.ori %gt3A_26, %and3A : vector<2048x128xi1>
    %convert_element_type3A_28 = arith.extui %or3A : vector<2048x128xi1> to vector<2048x128xi32>
    %swap3A = arith.constant 0 : i32
    %swap3A_29 = arith.constant 0 : index
    %swap3A_30 = memref.load %arg2[%swap3A_29] : memref<32xi32, #tpu.memory_space<smem>>
    memref.store %swap3A, %arg2[%swap3A_29] : memref<32xi32, #tpu.memory_space<smem>>
    %slice3A = vector.extract_strided_slice %convert_element_type3A_28 {offsets = [0, 0], sizes = [64, 128], strides = [1, 1]} : vector<2048x128xi32> to vector<64x128xi32>
    %reduce_sum3A_31 = vector.shape_cast %slice3A : vector<64x128xi32> to vector<1x64x128xi32>
    %reduce_sum3A_32 = arith.constant dense<0> : vector<1xi32>
    %reduce_sum3A_33 = vector.multi_reduction <add>, %reduce_sum3A_31, %reduce_sum3A_32 [1, 2] : vector<1x64x128xi32> to vector<1xi32>
    %reduce_sum3A_34 = vector.shape_cast %reduce_sum3A_33 : vector<1xi32> to vector<1x1x1xi32>
    %reduce_sum3A_35 = vector.extract %reduce_sum3A_34[0, 0, 0] : i32 from vector<1x1x1xi32>
    %add3A_36 = arith.constant 63 : i32
    %add3A_37 = arith.addi %reduce_sum3A_35, %add3A_36 : i32
    %jit3A = arith.constant 64 : i32
    %div3A = arith.divsi %add3A_37, %jit3A : i32
    %sign3A = arith.constant 0 : i32
    %sign3A_38 = arith.cmpi sgt, %add3A_37, %sign3A : i32
    %sign3A_39 = arith.extui %sign3A_38 : i1 to i32
    %sign3A_40 = arith.constant 0 : i32
    %sign3A_41 = arith.cmpi slt, %add3A_37, %sign3A_40 : i32
    %sign3A_42 = arith.extui %sign3A_41 : i1 to i32
    %sign3A_43 = arith.subi %sign3A_39, %sign3A_42 : i32
    %sign3A_44 = arith.constant 0 : i32
    %sign3A_45 = arith.cmpi sgt, %jit3A, %sign3A_44 : i32
    %sign3A_46 = arith.extui %sign3A_45 : i1 to i32
    %sign3A_47 = arith.constant 0 : i32
    %sign3A_48 = arith.cmpi slt, %jit3A, %sign3A_47 : i32
    %sign3A_49 = arith.extui %sign3A_48 : i1 to i32
    %sign3A_50 = arith.subi %sign3A_46, %sign3A_49 : i32
    %ne3A = arith.cmpi ne, %sign3A_43, %sign3A_50 : i32
    %rem3A = arith.remsi %add3A_37, %jit3A : i32
    %ne3A_51 = arith.constant 0 : i32
    %ne3A_52 = arith.cmpi ne, %rem3A, %ne3A_51 : i32
    %and3A_53 = arith.andi %ne3A, %ne3A_52 : i1
    %sub3A_54 = arith.constant 1 : i32
    %sub3A_55 = arith.subi %div3A, %sub3A_54 : i32
    %select_n3A = arith.select %and3A_53, %sub3A_55, %div3A : i32
    %mul3A_56 = arith.constant 64 : i32
    %mul3A_57 = arith.muli %select_n3A, %mul3A_56 : i32
    %add3A_58 = arith.constant 0 : i32
    %add3A_59 = arith.addi %add3A_58, %mul3A_57 : i32
    %swap3A_60 = arith.constant 1 : index
    %swap3A_61 = memref.load %arg2[%swap3A_60] : memref<32xi32, #tpu.memory_space<smem>>
    memref.store %add3A_59, %arg2[%swap3A_60] : memref<32xi32, #tpu.memory_space<smem>>
    %slice3A_62 = vector.extract_strided_slice %convert_element_type3A_28 {offsets = [64, 0], sizes = [64, 128], strides = [1, 1]} : vector<2048x128xi32> to vector<64x128xi32>
    %reduce_sum3A_63 = vector.shape_cast %slice3A_62 : vector<64x128xi32> to vector<1x64x128xi32>
    %reduce_sum3A_64 = arith.constant dense<0> : vector<1xi32>
    %reduce_sum3A_65 = vector.multi_reduction <add>, %reduce_sum3A_63, %reduce_sum3A_64 [1, 2] : vector<1x64x128xi32> to vector<1xi32>
    %reduce_sum3A_66 = vector.shape_cast %reduce_sum3A_65 : vector<1xi32> to vector<1x1x1xi32>
    %reduce_sum3A_67 = vector.extract %reduce_sum3A_66[0, 0, 0] : i32 from vector<1x1x1xi32>
    %add3A_68 = arith.constant 63 : i32
    %add3A_69 = arith.addi %reduce_sum3A_67, %add3A_68 : i32
    %jit3A_70 = arith.constant 64 : i32
    %div3A_71 = arith.divsi %add3A_69, %jit3A_70 : i32
    %sign3A_72 = arith.constant 0 : i32
    %sign3A_73 = arith.cmpi sgt, %add3A_69, %sign3A_72 : i32
    %sign3A_74 = arith.extui %sign3A_73 : i1 to i32
    %sign3A_75 = arith.constant 0 : i32
    %sign3A_76 = arith.cmpi slt, %add3A_69, %sign3A_75 : i32
    %sign3A_77 = arith.extui %sign3A_76 : i1 to i32
    %sign3A_78 = arith.subi %sign3A_74, %sign3A_77 : i32
    %sign3A_79 = arith.constant 0 : i32
    %sign3A_80 = arith.cmpi sgt, %jit3A_70, %sign3A_79 : i32
    %sign3A_81 = arith.extui %sign3A_80 : i1 to i32
    %sign3A_82 = arith.constant 0 : i32
    %sign3A_83 = arith.cmpi slt, %jit3A_70, %sign3A_82 : i32
    %sign3A_84 = arith.extui %sign3A_83 : i1 to i32
    %sign3A_85 = arith.subi %sign3A_81, %sign3A_84 : i32
    %ne3A_86 = arith.cmpi ne, %sign3A_78, %sign3A_85 : i32
    %rem3A_87 = arith.remsi %add3A_69, %jit3A_70 : i32
    %ne3A_88 = arith.constant 0 : i32
    %ne3A_89 = arith.cmpi ne, %rem3A_87, %ne3A_88 : i32
    %and3A_90 = arith.andi %ne3A_86, %ne3A_89 : i1
    %sub3A_91 = arith.constant 1 : i32
    %sub3A_92 = arith.subi %div3A_71, %sub3A_91 : i32
    %select_n3A_93 = arith.select %and3A_90, %sub3A_92, %div3A_71 : i32
    %mul3A_94 = arith.constant 64 : i32
    %mul3A_95 = arith.muli %select_n3A_93, %mul3A_94 : i32
    %add3A_96 = arith.addi %add3A_59, %mul3A_95 : i32
    %swap3A_97 = arith.constant 2 : index
    %swap3A_98 = memref.load %arg2[%swap3A_97] : memref<32xi32, #tpu.memory_space<smem>>
    memref.store %add3A_96, %arg2[%swap3A_97] : memref<32xi32, #tpu.memory_space<smem>>
    %slice3A_99 = vector.extract_strided_slice %convert_element_type3A_28 {offsets = [128, 0], sizes = [64, 128], strides = [1, 1]} : vector<2048x128xi32> to vector<64x128xi32>
    %reduce_sum3A_100 = vector.shape_cast %slice3A_99 : vector<64x128xi32> to vector<1x64x128xi32>
    %reduce_sum3A_101 = arith.constant dense<0> : vector<1xi32>
    %reduce_sum3A_102 = vector.multi_reduction <add>, %reduce_sum3A_100, %reduce_sum3A_101 [1, 2] : vector<1x64x128xi32> to vector<1xi32>
    %reduce_sum3A_103 = vector.shape_cast %reduce_sum3A_102 : vector<1xi32> to vector<1x1x1xi32>
    %reduce_sum3A_104 = vector.extract %reduce_sum3A_103[0, 0, 0] : i32 from vector<1x1x1xi32>
    %add3A_105 = arith.constant 63 : i32
    %add3A_106 = arith.addi %reduce_sum3A_104, %add3A_105 : i32
    %jit3A_107 = arith.constant 64 : i32
    %div3A_108 = arith.divsi %add3A_106, %jit3A_107 : i32
    %sign3A_109 = arith.constant 0 : i32
    %sign3A_110 = arith.cmpi sgt, %add3A_106, %sign3A_109 : i32
    %sign3A_111 = arith.extui %sign3A_110 : i1 to i32
    %sign3A_112 = arith.constant 0 : i32
    %sign3A_113 = arith.cmpi slt, %add3A_106, %sign3A_112 : i32
    %sign3A_114 = arith.extui %sign3A_113 : i1 to i32
    %sign3A_115 = arith.subi %sign3A_111, %sign3A_114 : i32
    %sign3A_116 = arith.constant 0 : i32
    %sign3A_117 = arith.cmpi sgt, %jit3A_107, %sign3A_116 : i32
    %sign3A_118 = arith.extui %sign3A_117 : i1 to i32
    %sign3A_119 = arith.constant 0 : i32
    %sign3A_120 = arith.cmpi slt, %jit3A_107, %sign3A_119 : i32
    %sign3A_121 = arith.extui %sign3A_120 : i1 to i32
    %sign3A_122 = arith.subi %sign3A_118, %sign3A_121 : i32
    %ne3A_123 = arith.cmpi ne, %sign3A_115, %sign3A_122 : i32
    %rem3A_124 = arith.remsi %add3A_106, %jit3A_107 : i32
    %ne3A_125 = arith.constant 0 : i32
    %ne3A_126 = arith.cmpi ne, %rem3A_124, %ne3A_125 : i32
    %and3A_127 = arith.andi %ne3A_123, %ne3A_126 : i1
    %sub3A_128 = arith.constant 1 : i32
    %sub3A_129 = arith.subi %div3A_108, %sub3A_128 : i32
    %select_n3A_130 = arith.select %and3A_127, %sub3A_129, %div3A_108 : i32
    %mul3A_131 = arith.constant 64 : i32
    %mul3A_132 = arith.muli %select_n3A_130, %mul3A_131 : i32
    %add3A_133 = arith.addi %add3A_96, %mul3A_132 : i32
    %swap3A_134 = arith.constant 3 : index
    %swap3A_135 = memref.load %arg2[%swap3A_134] : memref<32xi32, #tpu.memory_space<smem>>
    memref.store %add3A_133, %arg2[%swap3A_134] : memref<32xi32, #tpu.memory_space<smem>>
    %slice3A_136 = vector.extract_strided_slice %convert_element_type3A_28 {offsets = [192, 0], sizes = [64, 128], strides = [1, 1]} : vector<2048x128xi32> to vector<64x128xi32>
    %reduce_sum3A_137 = vector.shape_cast %slice3A_136 : vector<64x128xi32> to vector<1x64x128xi32>
    %reduce_sum3A_138 = arith.constant dense<0> : vector<1xi32>
    %reduce_sum3A_139 = vector.multi_reduction <add>, %reduce_sum3A_137, %reduce_sum3A_138 [1, 2] : vector<1x64x128xi32> to vector<1xi32>
    %reduce_sum3A_140 = vector.shape_cast %reduce_sum3A_139 : vector<1xi32> to vector<1x1x1xi32>
    %reduce_sum3A_141 = vector.extract %reduce_sum3A_140[0, 0, 0] : i32 from vector<1x1x1xi32>
    %add3A_142 = arith.constant 63 : i32
    %add3A_143 = arith.addi %reduce_sum3A_141, %add3A_142 : i32
    %jit3A_144 = arith.constant 64 : i32
    %div3A_145 = arith.divsi %add3A_143, %jit3A_144 : i32
    %sign3A_146 = arith.constant 0 : i32
    %sign3A_147 = arith.cmpi sgt, %add3A_143, %sign3A_146 : i32
    %sign3A_148 = arith.extui %sign3A_147 : i1 to i32
    %sign3A_149 = arith.constant 0 : i32
    %sign3A_150 = arith.cmpi slt, %add3A_143, %sign3A_149 : i32
    %sign3A_151 = arith.extui %sign3A_150 : i1 to i32
    %sign3A_152 = arith.subi %sign3A_148, %sign3A_151 : i32
    %sign3A_153 = arith.constant 0 : i32
    %sign3A_154 = arith.cmpi sgt, %jit3A_144, %sign3A_153 : i32
    %sign3A_155 = arith.extui %sign3A_154 : i1 to i32
    %sign3A_156 = arith.constant 0 : i32
    %sign3A_157 = arith.cmpi slt, %jit3A_144, %sign3A_156 : i32
    %sign3A_158 = arith.extui %sign3A_157 : i1 to i32
    %sign3A_159 = arith.subi %sign3A_155, %sign3A_158 : i32
    %ne3A_160 = arith.cmpi ne, %sign3A_152, %sign3A_159 : i32
    %rem3A_161 = arith.remsi %add3A_143, %jit3A_144 : i32
    %ne3A_162 = arith.constant 0 : i32
    %ne3A_163 = arith.cmpi ne, %rem3A_161, %ne3A_162 : i32
    %and3A_164 = arith.andi %ne3A_160, %ne3A_163 : i1
    %sub3A_165 = arith.constant 1 : i32
    %sub3A_166 = arith.subi %div3A_145, %sub3A_165 : i32
    %select_n3A_167 = arith.select %and3A_164, %sub3A_166, %div3A_145 : i32
    %mul3A_168 = arith.constant 64 : i32
    %mul3A_169 = arith.muli %select_n3A_167, %mul3A_168 : i32
    %add3A_170 = arith.addi %add3A_133, %mul3A_169 : i32
    %swap3A_171 = arith.constant 4 : index
    %swap3A_172 = memref.load %arg2[%swap3A_171] : memref<32xi32, #tpu.memory_space<smem>>
    memref.store %add3A_170, %arg2[%swap3A_171] : memref<32xi32, #tpu.memory_space<smem>>
    %slice3A_173 = vector.extract_strided_slice %convert_element_type3A_28 {offsets = [256, 0], sizes = [64, 128], strides = [1, 1]} : vector<2048x128xi32> to vector<64x128xi32>
    %reduce_sum3A_174 = vector.shape_cast %slice3A_173 : vector<64x128xi32> to vector<1x64x128xi32>
    %reduce_sum3A_175 = arith.constant dense<0> : vector<1xi32>
    %reduce_sum3A_176 = vector.multi_reduction <add>, %reduce_sum3A_174, %reduce_sum3A_175 [1, 2] : vector<1x64x128xi32> to vector<1xi32>
    %reduce_sum3A_177 = vector.shape_cast %reduce_sum3A_176 : vector<1xi32> to vector<1x1x1xi32>
    %reduce_sum3A_178 = vector.extract %reduce_sum3A_177[0, 0, 0] : i32 from vector<1x1x1xi32>
    %add3A_179 = arith.constant 63 : i32
    %add3A_180 = arith.addi %reduce_sum3A_178, %add3A_179 : i32
    %jit3A_181 = arith.constant 64 : i32
    %div3A_182 = arith.divsi %add3A_180, %jit3A_181 : i32
    %sign3A_183 = arith.constant 0 : i32
    %sign3A_184 = arith.cmpi sgt, %add3A_180, %sign3A_183 : i32
    %sign3A_185 = arith.extui %sign3A_184 : i1 to i32
    %sign3A_186 = arith.constant 0 : i32
    %sign3A_187 = arith.cmpi slt, %add3A_180, %sign3A_186 : i32
    %sign3A_188 = arith.extui %sign3A_187 : i1 to i32
    %sign3A_189 = arith.subi %sign3A_185, %sign3A_188 : i32
    %sign3A_190 = arith.constant 0 : i32
    %sign3A_191 = arith.cmpi sgt, %jit3A_181, %sign3A_190 : i32
    %sign3A_192 = arith.extui %sign3A_191 : i1 to i32
    %sign3A_193 = arith.constant 0 : i32
    %sign3A_194 = arith.cmpi slt, %jit3A_181, %sign3A_193 : i32
    %sign3A_195 = arith.extui %sign3A_194 : i1 to i32
    %sign3A_196 = arith.subi %sign3A_192, %sign3A_195 : i32
    %ne3A_197 = arith.cmpi ne, %sign3A_189, %sign3A_196 : i32
    %rem3A_198 = arith.remsi %add3A_180, %jit3A_181 : i32
    %ne3A_199 = arith.constant 0 : i32
    %ne3A_200 = arith.cmpi ne, %rem3A_198, %ne3A_199 : i32
    %and3A_201 = arith.andi %ne3A_197, %ne3A_200 : i1
    %sub3A_202 = arith.constant 1 : i32
    %sub3A_203 = arith.subi %div3A_182, %sub3A_202 : i32
    %select_n3A_204 = arith.select %and3A_201, %sub3A_203, %div3A_182 : i32
    %mul3A_205 = arith.constant 64 : i32
    %mul3A_206 = arith.muli %select_n3A_204, %mul3A_205 : i32
    %add3A_207 = arith.addi %add3A_170, %mul3A_206 : i32
    %swap3A_208 = arith.constant 5 : index
    %swap3A_209 = memref.load %arg2[%swap3A_208] : memref<32xi32, #tpu.memory_space<smem>>
    memref.store %add3A_207, %arg2[%swap3A_208] : memref<32xi32, #tpu.memory_space<smem>>
    %slice3A_210 = vector.extract_strided_slice %convert_element_type3A_28 {offsets = [320, 0], sizes = [64, 128], strides = [1, 1]} : vector<2048x128xi32> to vector<64x128xi32>
    %reduce_sum3A_211 = vector.shape_cast %slice3A_210 : vector<64x128xi32> to vector<1x64x128xi32>
    %reduce_sum3A_212 = arith.constant dense<0> : vector<1xi32>
    %reduce_sum3A_213 = vector.multi_reduction <add>, %reduce_sum3A_211, %reduce_sum3A_212 [1, 2] : vector<1x64x128xi32> to vector<1xi32>
    %reduce_sum3A_214 = vector.shape_cast %reduce_sum3A_213 : vector<1xi32> to vector<1x1x1xi32>
    %reduce_sum3A_215 = vector.extract %reduce_sum3A_214[0, 0, 0] : i32 from vector<1x1x1xi32>
    %add3A_216 = arith.constant 63 : i32
    %add3A_217 = arith.addi %reduce_sum3A_215, %add3A_216 : i32
    %jit3A_218 = arith.constant 64 : i32
    %div3A_219 = arith.divsi %add3A_217, %jit3A_218 : i32
    %sign3A_220 = arith.constant 0 : i32
    %sign3A_221 = arith.cmpi sgt, %add3A_217, %sign3A_220 : i32
    %sign3A_222 = arith.extui %sign3A_221 : i1 to i32
    %sign3A_223 = arith.constant 0 : i32
    %sign3A_224 = arith.cmpi slt, %add3A_217, %sign3A_223 : i32
    %sign3A_225 = arith.extui %sign3A_224 : i1 to i32
    %sign3A_226 = arith.subi %sign3A_222, %sign3A_225 : i32
    %sign3A_227 = arith.constant 0 : i32
    %sign3A_228 = arith.cmpi sgt, %jit3A_218, %sign3A_227 : i32
    %sign3A_229 = arith.extui %sign3A_228 : i1 to i32
    %sign3A_230 = arith.constant 0 : i32
    %sign3A_231 = arith.cmpi slt, %jit3A_218, %sign3A_230 : i32
    %sign3A_232 = arith.extui %sign3A_231 : i1 to i32
    %sign3A_233 = arith.subi %sign3A_229, %sign3A_232 : i32
    %ne3A_234 = arith.cmpi ne, %sign3A_226, %sign3A_233 : i32
    %rem3A_235 = arith.remsi %add3A_217, %jit3A_218 : i32
    %ne3A_236 = arith.constant 0 : i32
    %ne3A_237 = arith.cmpi ne, %rem3A_235, %ne3A_236 : i32
    %and3A_238 = arith.andi %ne3A_234, %ne3A_237 : i1
    %sub3A_239 = arith.constant 1 : i32
    %sub3A_240 = arith.subi %div3A_219, %sub3A_239 : i32
    %select_n3A_241 = arith.select %and3A_238, %sub3A_240, %div3A_219 : i32
    %mul3A_242 = arith.constant 64 : i32
    %mul3A_243 = arith.muli %select_n3A_241, %mul3A_242 : i32
    %add3A_244 = arith.addi %add3A_207, %mul3A_243 : i32
    %swap3A_245 = arith.constant 6 : index
    %swap3A_246 = memref.load %arg2[%swap3A_245] : memref<32xi32, #tpu.memory_space<smem>>
    memref.store %add3A_244, %arg2[%swap3A_245] : memref<32xi32, #tpu.memory_space<smem>>
    %slice3A_247 = vector.extract_strided_slice %convert_element_type3A_28 {offsets = [384, 0], sizes = [64, 128], strides = [1, 1]} : vector<2048x128xi32> to vector<64x128xi32>
    %reduce_sum3A_248 = vector.shape_cast %slice3A_247 : vector<64x128xi32> to vector<1x64x128xi32>
    %reduce_sum3A_249 = arith.constant dense<0> : vector<1xi32>
    %reduce_sum3A_250 = vector.multi_reduction <add>, %reduce_sum3A_248, %reduce_sum3A_249 [1, 2] : vector<1x64x128xi32> to vector<1xi32>
    %reduce_sum3A_251 = vector.shape_cast %reduce_sum3A_250 : vector<1xi32> to vector<1x1x1xi32>
    %reduce_sum3A_252 = vector.extract %reduce_sum3A_251[0, 0, 0] : i32 from vector<1x1x1xi32>
    %add3A_253 = arith.constant 63 : i32
    %add3A_254 = arith.addi %reduce_sum3A_252, %add3A_253 : i32
    %jit3A_255 = arith.constant 64 : i32
    %div3A_256 = arith.divsi %add3A_254, %jit3A_255 : i32
    %sign3A_257 = arith.constant 0 : i32
    %sign3A_258 = arith.cmpi sgt, %add3A_254, %sign3A_257 : i32
    %sign3A_259 = arith.extui %sign3A_258 : i1 to i32
    %sign3A_260 = arith.constant 0 : i32
    %sign3A_261 = arith.cmpi slt, %add3A_254, %sign3A_260 : i32
    %sign3A_262 = arith.extui %sign3A_261 : i1 to i32
    %sign3A_263 = arith.subi %sign3A_259, %sign3A_262 : i32
    %sign3A_264 = arith.constant 0 : i32
    %sign3A_265 = arith.cmpi sgt, %jit3A_255, %sign3A_264 : i32
    %sign3A_266 = arith.extui %sign3A_265 : i1 to i32
    %sign3A_267 = arith.constant 0 : i32
    %sign3A_268 = arith.cmpi slt, %jit3A_255, %sign3A_267 : i32
    %sign3A_269 = arith.extui %sign3A_268 : i1 to i32
    %sign3A_270 = arith.subi %sign3A_266, %sign3A_269 : i32
    %ne3A_271 = arith.cmpi ne, %sign3A_263, %sign3A_270 : i32
    %rem3A_272 = arith.remsi %add3A_254, %jit3A_255 : i32
    %ne3A_273 = arith.constant 0 : i32
    %ne3A_274 = arith.cmpi ne, %rem3A_272, %ne3A_273 : i32
    %and3A_275 = arith.andi %ne3A_271, %ne3A_274 : i1
    %sub3A_276 = arith.constant 1 : i32
    %sub3A_277 = arith.subi %div3A_256, %sub3A_276 : i32
    %select_n3A_278 = arith.select %and3A_275, %sub3A_277, %div3A_256 : i32
    %mul3A_279 = arith.constant 64 : i32
    %mul3A_280 = arith.muli %select_n3A_278, %mul3A_279 : i32
    %add3A_281 = arith.addi %add3A_244, %mul3A_280 : i32
    %swap3A_282 = arith.constant 7 : index
    %swap3A_283 = memref.load %arg2[%swap3A_282] : memref<32xi32, #tpu.memory_space<smem>>
    memref.store %add3A_281, %arg2[%swap3A_282] : memref<32xi32, #tpu.memory_space<smem>>
    %slice3A_284 = vector.extract_strided_slice %convert_element_type3A_28 {offsets = [448, 0], sizes = [64, 128], strides = [1, 1]} : vector<2048x128xi32> to vector<64x128xi32>
    %reduce_sum3A_285 = vector.shape_cast %slice3A_284 : vector<64x128xi32> to vector<1x64x128xi32>
    %reduce_sum3A_286 = arith.constant dense<0> : vector<1xi32>
    %reduce_sum3A_287 = vector.multi_reduction <add>, %reduce_sum3A_285, %reduce_sum3A_286 [1, 2] : vector<1x64x128xi32> to vector<1xi32>
    %reduce_sum3A_288 = vector.shape_cast %reduce_sum3A_287 : vector<1xi32> to vector<1x1x1xi32>
    %reduce_sum3A_289 = vector.extract %reduce_sum3A_288[0, 0, 0] : i32 from vector<1x1x1xi32>
    %add3A_290 = arith.constant 63 : i32
    %add3A_291 = arith.addi %reduce_sum3A_289, %add3A_290 : i32
    %jit3A_292 = arith.constant 64 : i32
    %div3A_293 = arith.divsi %add3A_291, %jit3A_292 : i32
    %sign3A_294 = arith.constant 0 : i32
    %sign3A_295 = arith.cmpi sgt, %add3A_291, %sign3A_294 : i32
    %sign3A_296 = arith.extui %sign3A_295 : i1 to i32
    %sign3A_297 = arith.constant 0 : i32
    %sign3A_298 = arith.cmpi slt, %add3A_291, %sign3A_297 : i32
    %sign3A_299 = arith.extui %sign3A_298 : i1 to i32
    %sign3A_300 = arith.subi %sign3A_296, %sign3A_299 : i32
    %sign3A_301 = arith.constant 0 : i32
    %sign3A_302 = arith.cmpi sgt, %jit3A_292, %sign3A_301 : i32
    %sign3A_303 = arith.extui %sign3A_302 : i1 to i32
    %sign3A_304 = arith.constant 0 : i32
    %sign3A_305 = arith.cmpi slt, %jit3A_292, %sign3A_304 : i32
    %sign3A_306 = arith.extui %sign3A_305 : i1 to i32
    %sign3A_307 = arith.subi %sign3A_303, %sign3A_306 : i32
    %ne3A_308 = arith.cmpi ne, %sign3A_300, %sign3A_307 : i32
    %rem3A_309 = arith.remsi %add3A_291, %jit3A_292 : i32
    %ne3A_310 = arith.constant 0 : i32
    %ne3A_311 = arith.cmpi ne, %rem3A_309, %ne3A_310 : i32
    %and3A_312 = arith.andi %ne3A_308, %ne3A_311 : i1
    %sub3A_313 = arith.constant 1 : i32
    %sub3A_314 = arith.subi %div3A_293, %sub3A_313 : i32
    %select_n3A_315 = arith.select %and3A_312, %sub3A_314, %div3A_293 : i32
    %mul3A_316 = arith.constant 64 : i32
    %mul3A_317 = arith.muli %select_n3A_315, %mul3A_316 : i32
    %add3A_318 = arith.addi %add3A_281, %mul3A_317 : i32
    %swap3A_319 = arith.constant 8 : index
    %swap3A_320 = memref.load %arg2[%swap3A_319] : memref<32xi32, #tpu.memory_space<smem>>
    memref.store %add3A_318, %arg2[%swap3A_319] : memref<32xi32, #tpu.memory_space<smem>>
    %slice3A_321 = vector.extract_strided_slice %convert_element_type3A_28 {offsets = [512, 0], sizes = [64, 128], strides = [1, 1]} : vector<2048x128xi32> to vector<64x128xi32>
    %reduce_sum3A_322 = vector.shape_cast %slice3A_321 : vector<64x128xi32> to vector<1x64x128xi32>
    %reduce_sum3A_323 = arith.constant dense<0> : vector<1xi32>
    %reduce_sum3A_324 = vector.multi_reduction <add>, %reduce_sum3A_322, %reduce_sum3A_323 [1, 2] : vector<1x64x128xi32> to vector<1xi32>
    %reduce_sum3A_325 = vector.shape_cast %reduce_sum3A_324 : vector<1xi32> to vector<1x1x1xi32>
    %reduce_sum3A_326 = vector.extract %reduce_sum3A_325[0, 0, 0] : i32 from vector<1x1x1xi32>
    %add3A_327 = arith.constant 63 : i32
    %add3A_328 = arith.addi %reduce_sum3A_326, %add3A_327 : i32
    %jit3A_329 = arith.constant 64 : i32
    %div3A_330 = arith.divsi %add3A_328, %jit3A_329 : i32
    %sign3A_331 = arith.constant 0 : i32
    %sign3A_332 = arith.cmpi sgt, %add3A_328, %sign3A_331 : i32
    %sign3A_333 = arith.extui %sign3A_332 : i1 to i32
    %sign3A_334 = arith.constant 0 : i32
    %sign3A_335 = arith.cmpi slt, %add3A_328, %sign3A_334 : i32
    %sign3A_336 = arith.extui %sign3A_335 : i1 to i32
    %sign3A_337 = arith.subi %sign3A_333, %sign3A_336 : i32
    %sign3A_338 = arith.constant 0 : i32
    %sign3A_339 = arith.cmpi sgt, %jit3A_329, %sign3A_338 : i32
    %sign3A_340 = arith.extui %sign3A_339 : i1 to i32
    %sign3A_341 = arith.constant 0 : i32
    %sign3A_342 = arith.cmpi slt, %jit3A_329, %sign3A_341 : i32
    %sign3A_343 = arith.extui %sign3A_342 : i1 to i32
    %sign3A_344 = arith.subi %sign3A_340, %sign3A_343 : i32
    %ne3A_345 = arith.cmpi ne, %sign3A_337, %sign3A_344 : i32
    %rem3A_346 = arith.remsi %add3A_328, %jit3A_329 : i32
    %ne3A_347 = arith.constant 0 : i32
    %ne3A_348 = arith.cmpi ne, %rem3A_346, %ne3A_347 : i32
    %and3A_349 = arith.andi %ne3A_345, %ne3A_348 : i1
    %sub3A_350 = arith.constant 1 : i32
    %sub3A_351 = arith.subi %div3A_330, %sub3A_350 : i32
    %select_n3A_352 = arith.select %and3A_349, %sub3A_351, %div3A_330 : i32
    %mul3A_353 = arith.constant 64 : i32
    %mul3A_354 = arith.muli %select_n3A_352, %mul3A_353 : i32
    %add3A_355 = arith.addi %add3A_318, %mul3A_354 : i32
    %swap3A_356 = arith.constant 9 : index
    %swap3A_357 = memref.load %arg2[%swap3A_356] : memref<32xi32, #tpu.memory_space<smem>>
    memref.store %add3A_355, %arg2[%swap3A_356] : memref<32xi32, #tpu.memory_space<smem>>
    %slice3A_358 = vector.extract_strided_slice %convert_element_type3A_28 {offsets = [576, 0], sizes = [64, 128], strides = [1, 1]} : vector<2048x128xi32> to vector<64x128xi32>
    %reduce_sum3A_359 = vector.shape_cast %slice3A_358 : vector<64x128xi32> to vector<1x64x128xi32>
    %reduce_sum3A_360 = arith.constant dense<0> : vector<1xi32>
    %reduce_sum3A_361 = vector.multi_reduction <add>, %reduce_sum3A_359, %reduce_sum3A_360 [1, 2] : vector<1x64x128xi32> to vector<1xi32>
    %reduce_sum3A_362 = vector.shape_cast %reduce_sum3A_361 : vector<1xi32> to vector<1x1x1xi32>
    %reduce_sum3A_363 = vector.extract %reduce_sum3A_362[0, 0, 0] : i32 from vector<1x1x1xi32>
    %add3A_364 = arith.constant 63 : i32
    %add3A_365 = arith.addi %reduce_sum3A_363, %add3A_364 : i32
    %jit3A_366 = arith.constant 64 : i32
    %div3A_367 = arith.divsi %add3A_365, %jit3A_366 : i32
    %sign3A_368 = arith.constant 0 : i32
    %sign3A_369 = arith.cmpi sgt, %add3A_365, %sign3A_368 : i32
    %sign3A_370 = arith.extui %sign3A_369 : i1 to i32
    %sign3A_371 = arith.constant 0 : i32
    %sign3A_372 = arith.cmpi slt, %add3A_365, %sign3A_371 : i32
    %sign3A_373 = arith.extui %sign3A_372 : i1 to i32
    %sign3A_374 = arith.subi %sign3A_370, %sign3A_373 : i32
    %sign3A_375 = arith.constant 0 : i32
    %sign3A_376 = arith.cmpi sgt, %jit3A_366, %sign3A_375 : i32
    %sign3A_377 = arith.extui %sign3A_376 : i1 to i32
    %sign3A_378 = arith.constant 0 : i32
    %sign3A_379 = arith.cmpi slt, %jit3A_366, %sign3A_378 : i32
    %sign3A_380 = arith.extui %sign3A_379 : i1 to i32
    %sign3A_381 = arith.subi %sign3A_377, %sign3A_380 : i32
    %ne3A_382 = arith.cmpi ne, %sign3A_374, %sign3A_381 : i32
    %rem3A_383 = arith.remsi %add3A_365, %jit3A_366 : i32
    %ne3A_384 = arith.constant 0 : i32
    %ne3A_385 = arith.cmpi ne, %rem3A_383, %ne3A_384 : i32
    %and3A_386 = arith.andi %ne3A_382, %ne3A_385 : i1
    %sub3A_387 = arith.constant 1 : i32
    %sub3A_388 = arith.subi %div3A_367, %sub3A_387 : i32
    %select_n3A_389 = arith.select %and3A_386, %sub3A_388, %div3A_367 : i32
    %mul3A_390 = arith.constant 64 : i32
    %mul3A_391 = arith.muli %select_n3A_389, %mul3A_390 : i32
    %add3A_392 = arith.addi %add3A_355, %mul3A_391 : i32
    %swap3A_393 = arith.constant 10 : index
    %swap3A_394 = memref.load %arg2[%swap3A_393] : memref<32xi32, #tpu.memory_space<smem>>
    memref.store %add3A_392, %arg2[%swap3A_393] : memref<32xi32, #tpu.memory_space<smem>>
    %slice3A_395 = vector.extract_strided_slice %convert_element_type3A_28 {offsets = [640, 0], sizes = [64, 128], strides = [1, 1]} : vector<2048x128xi32> to vector<64x128xi32>
    %reduce_sum3A_396 = vector.shape_cast %slice3A_395 : vector<64x128xi32> to vector<1x64x128xi32>
    %reduce_sum3A_397 = arith.constant dense<0> : vector<1xi32>
    %reduce_sum3A_398 = vector.multi_reduction <add>, %reduce_sum3A_396, %reduce_sum3A_397 [1, 2] : vector<1x64x128xi32> to vector<1xi32>
    %reduce_sum3A_399 = vector.shape_cast %reduce_sum3A_398 : vector<1xi32> to vector<1x1x1xi32>
    %reduce_sum3A_400 = vector.extract %reduce_sum3A_399[0, 0, 0] : i32 from vector<1x1x1xi32>
    %add3A_401 = arith.constant 63 : i32
    %add3A_402 = arith.addi %reduce_sum3A_400, %add3A_401 : i32
    %jit3A_403 = arith.constant 64 : i32
    %div3A_404 = arith.divsi %add3A_402, %jit3A_403 : i32
    %sign3A_405 = arith.constant 0 : i32
    %sign3A_406 = arith.cmpi sgt, %add3A_402, %sign3A_405 : i32
    %sign3A_407 = arith.extui %sign3A_406 : i1 to i32
    %sign3A_408 = arith.constant 0 : i32
    %sign3A_409 = arith.cmpi slt, %add3A_402, %sign3A_408 : i32
    %sign3A_410 = arith.extui %sign3A_409 : i1 to i32
    %sign3A_411 = arith.subi %sign3A_407, %sign3A_410 : i32
    %sign3A_412 = arith.constant 0 : i32
    %sign3A_413 = arith.cmpi sgt, %jit3A_403, %sign3A_412 : i32
    %sign3A_414 = arith.extui %sign3A_413 : i1 to i32
    %sign3A_415 = arith.constant 0 : i32
    %sign3A_416 = arith.cmpi slt, %jit3A_403, %sign3A_415 : i32
    %sign3A_417 = arith.extui %sign3A_416 : i1 to i32
    %sign3A_418 = arith.subi %sign3A_414, %sign3A_417 : i32
    %ne3A_419 = arith.cmpi ne, %sign3A_411, %sign3A_418 : i32
    %rem3A_420 = arith.remsi %add3A_402, %jit3A_403 : i32
    %ne3A_421 = arith.constant 0 : i32
    %ne3A_422 = arith.cmpi ne, %rem3A_420, %ne3A_421 : i32
    %and3A_423 = arith.andi %ne3A_419, %ne3A_422 : i1
    %sub3A_424 = arith.constant 1 : i32
    %sub3A_425 = arith.subi %div3A_404, %sub3A_424 : i32
    %select_n3A_426 = arith.select %and3A_423, %sub3A_425, %div3A_404 : i32
    %mul3A_427 = arith.constant 64 : i32
    %mul3A_428 = arith.muli %select_n3A_426, %mul3A_427 : i32
    %add3A_429 = arith.addi %add3A_392, %mul3A_428 : i32
    %swap3A_430 = arith.constant 11 : index
    %swap3A_431 = memref.load %arg2[%swap3A_430] : memref<32xi32, #tpu.memory_space<smem>>
    memref.store %add3A_429, %arg2[%swap3A_430] : memref<32xi32, #tpu.memory_space<smem>>
    %slice3A_432 = vector.extract_strided_slice %convert_element_type3A_28 {offsets = [704, 0], sizes = [64, 128], strides = [1, 1]} : vector<2048x128xi32> to vector<64x128xi32>
    %reduce_sum3A_433 = vector.shape_cast %slice3A_432 : vector<64x128xi32> to vector<1x64x128xi32>
    %reduce_sum3A_434 = arith.constant dense<0> : vector<1xi32>
    %reduce_sum3A_435 = vector.multi_reduction <add>, %reduce_sum3A_433, %reduce_sum3A_434 [1, 2] : vector<1x64x128xi32> to vector<1xi32>
    %reduce_sum3A_436 = vector.shape_cast %reduce_sum3A_435 : vector<1xi32> to vector<1x1x1xi32>
    %reduce_sum3A_437 = vector.extract %reduce_sum3A_436[0, 0, 0] : i32 from vector<1x1x1xi32>
    %add3A_438 = arith.constant 63 : i32
    %add3A_439 = arith.addi %reduce_sum3A_437, %add3A_438 : i32
    %jit3A_440 = arith.constant 64 : i32
    %div3A_441 = arith.divsi %add3A_439, %jit3A_440 : i32
    %sign3A_442 = arith.constant 0 : i32
    %sign3A_443 = arith.cmpi sgt, %add3A_439, %sign3A_442 : i32
    %sign3A_444 = arith.extui %sign3A_443 : i1 to i32
    %sign3A_445 = arith.constant 0 : i32
    %sign3A_446 = arith.cmpi slt, %add3A_439, %sign3A_445 : i32
    %sign3A_447 = arith.extui %sign3A_446 : i1 to i32
    %sign3A_448 = arith.subi %sign3A_444, %sign3A_447 : i32
    %sign3A_449 = arith.constant 0 : i32
    %sign3A_450 = arith.cmpi sgt, %jit3A_440, %sign3A_449 : i32
    %sign3A_451 = arith.extui %sign3A_450 : i1 to i32
    %sign3A_452 = arith.constant 0 : i32
    %sign3A_453 = arith.cmpi slt, %jit3A_440, %sign3A_452 : i32
    %sign3A_454 = arith.extui %sign3A_453 : i1 to i32
    %sign3A_455 = arith.subi %sign3A_451, %sign3A_454 : i32
    %ne3A_456 = arith.cmpi ne, %sign3A_448, %sign3A_455 : i32
    %rem3A_457 = arith.remsi %add3A_439, %jit3A_440 : i32
    %ne3A_458 = arith.constant 0 : i32
    %ne3A_459 = arith.cmpi ne, %rem3A_457, %ne3A_458 : i32
    %and3A_460 = arith.andi %ne3A_456, %ne3A_459 : i1
    %sub3A_461 = arith.constant 1 : i32
    %sub3A_462 = arith.subi %div3A_441, %sub3A_461 : i32
    %select_n3A_463 = arith.select %and3A_460, %sub3A_462, %div3A_441 : i32
    %mul3A_464 = arith.constant 64 : i32
    %mul3A_465 = arith.muli %select_n3A_463, %mul3A_464 : i32
    %add3A_466 = arith.addi %add3A_429, %mul3A_465 : i32
    %swap3A_467 = arith.constant 12 : index
    %swap3A_468 = memref.load %arg2[%swap3A_467] : memref<32xi32, #tpu.memory_space<smem>>
    memref.store %add3A_466, %arg2[%swap3A_467] : memref<32xi32, #tpu.memory_space<smem>>
    %slice3A_469 = vector.extract_strided_slice %convert_element_type3A_28 {offsets = [768, 0], sizes = [64, 128], strides = [1, 1]} : vector<2048x128xi32> to vector<64x128xi32>
    %reduce_sum3A_470 = vector.shape_cast %slice3A_469 : vector<64x128xi32> to vector<1x64x128xi32>
    %reduce_sum3A_471 = arith.constant dense<0> : vector<1xi32>
    %reduce_sum3A_472 = vector.multi_reduction <add>, %reduce_sum3A_470, %reduce_sum3A_471 [1, 2] : vector<1x64x128xi32> to vector<1xi32>
    %reduce_sum3A_473 = vector.shape_cast %reduce_sum3A_472 : vector<1xi32> to vector<1x1x1xi32>
    %reduce_sum3A_474 = vector.extract %reduce_sum3A_473[0, 0, 0] : i32 from vector<1x1x1xi32>
    %add3A_475 = arith.constant 63 : i32
    %add3A_476 = arith.addi %reduce_sum3A_474, %add3A_475 : i32
    %jit3A_477 = arith.constant 64 : i32
    %div3A_478 = arith.divsi %add3A_476, %jit3A_477 : i32
    %sign3A_479 = arith.constant 0 : i32
    %sign3A_480 = arith.cmpi sgt, %add3A_476, %sign3A_479 : i32
    %sign3A_481 = arith.extui %sign3A_480 : i1 to i32
    %sign3A_482 = arith.constant 0 : i32
    %sign3A_483 = arith.cmpi slt, %add3A_476, %sign3A_482 : i32
    %sign3A_484 = arith.extui %sign3A_483 : i1 to i32
    %sign3A_485 = arith.subi %sign3A_481, %sign3A_484 : i32
    %sign3A_486 = arith.constant 0 : i32
    %sign3A_487 = arith.cmpi sgt, %jit3A_477, %sign3A_486 : i32
    %sign3A_488 = arith.extui %sign3A_487 : i1 to i32
    %sign3A_489 = arith.constant 0 : i32
    %sign3A_490 = arith.cmpi slt, %jit3A_477, %sign3A_489 : i32
    %sign3A_491 = arith.extui %sign3A_490 : i1 to i32
    %sign3A_492 = arith.subi %sign3A_488, %sign3A_491 : i32
    %ne3A_493 = arith.cmpi ne, %sign3A_485, %sign3A_492 : i32
    %rem3A_494 = arith.remsi %add3A_476, %jit3A_477 : i32
    %ne3A_495 = arith.constant 0 : i32
    %ne3A_496 = arith.cmpi ne, %rem3A_494, %ne3A_495 : i32
    %and3A_497 = arith.andi %ne3A_493, %ne3A_496 : i1
    %sub3A_498 = arith.constant 1 : i32
    %sub3A_499 = arith.subi %div3A_478, %sub3A_498 : i32
    %select_n3A_500 = arith.select %and3A_497, %sub3A_499, %div3A_478 : i32
    %mul3A_501 = arith.constant 64 : i32
    %mul3A_502 = arith.muli %select_n3A_500, %mul3A_501 : i32
    %add3A_503 = arith.addi %add3A_466, %mul3A_502 : i32
    %swap3A_504 = arith.constant 13 : index
    %swap3A_505 = memref.load %arg2[%swap3A_504] : memref<32xi32, #tpu.memory_space<smem>>
    memref.store %add3A_503, %arg2[%swap3A_504] : memref<32xi32, #tpu.memory_space<smem>>
    %slice3A_506 = vector.extract_strided_slice %convert_element_type3A_28 {offsets = [832, 0], sizes = [64, 128], strides = [1, 1]} : vector<2048x128xi32> to vector<64x128xi32>
    %reduce_sum3A_507 = vector.shape_cast %slice3A_506 : vector<64x128xi32> to vector<1x64x128xi32>
    %reduce_sum3A_508 = arith.constant dense<0> : vector<1xi32>
    %reduce_sum3A_509 = vector.multi_reduction <add>, %reduce_sum3A_507, %reduce_sum3A_508 [1, 2] : vector<1x64x128xi32> to vector<1xi32>
    %reduce_sum3A_510 = vector.shape_cast %reduce_sum3A_509 : vector<1xi32> to vector<1x1x1xi32>
    %reduce_sum3A_511 = vector.extract %reduce_sum3A_510[0, 0, 0] : i32 from vector<1x1x1xi32>
    %add3A_512 = arith.constant 63 : i32
    %add3A_513 = arith.addi %reduce_sum3A_511, %add3A_512 : i32
    %jit3A_514 = arith.constant 64 : i32
    %div3A_515 = arith.divsi %add3A_513, %jit3A_514 : i32
    %sign3A_516 = arith.constant 0 : i32
    %sign3A_517 = arith.cmpi sgt, %add3A_513, %sign3A_516 : i32
    %sign3A_518 = arith.extui %sign3A_517 : i1 to i32
    %sign3A_519 = arith.constant 0 : i32
    %sign3A_520 = arith.cmpi slt, %add3A_513, %sign3A_519 : i32
    %sign3A_521 = arith.extui %sign3A_520 : i1 to i32
    %sign3A_522 = arith.subi %sign3A_518, %sign3A_521 : i32
    %sign3A_523 = arith.constant 0 : i32
    %sign3A_524 = arith.cmpi sgt, %jit3A_514, %sign3A_523 : i32
    %sign3A_525 = arith.extui %sign3A_524 : i1 to i32
    %sign3A_526 = arith.constant 0 : i32
    %sign3A_527 = arith.cmpi slt, %jit3A_514, %sign3A_526 : i32
    %sign3A_528 = arith.extui %sign3A_527 : i1 to i32
    %sign3A_529 = arith.subi %sign3A_525, %sign3A_528 : i32
    %ne3A_530 = arith.cmpi ne, %sign3A_522, %sign3A_529 : i32
    %rem3A_531 = arith.remsi %add3A_513, %jit3A_514 : i32
    %ne3A_532 = arith.constant 0 : i32
    %ne3A_533 = arith.cmpi ne, %rem3A_531, %ne3A_532 : i32
    %and3A_534 = arith.andi %ne3A_530, %ne3A_533 : i1
    %sub3A_535 = arith.constant 1 : i32
    %sub3A_536 = arith.subi %div3A_515, %sub3A_535 : i32
    %select_n3A_537 = arith.select %and3A_534, %sub3A_536, %div3A_515 : i32
    %mul3A_538 = arith.constant 64 : i32
    %mul3A_539 = arith.muli %select_n3A_537, %mul3A_538 : i32
    %add3A_540 = arith.addi %add3A_503, %mul3A_539 : i32
    %swap3A_541 = arith.constant 14 : index
    %swap3A_542 = memref.load %arg2[%swap3A_541] : memref<32xi32, #tpu.memory_space<smem>>
    memref.store %add3A_540, %arg2[%swap3A_541] : memref<32xi32, #tpu.memory_space<smem>>
    %slice3A_543 = vector.extract_strided_slice %convert_element_type3A_28 {offsets = [896, 0], sizes = [64, 128], strides = [1, 1]} : vector<2048x128xi32> to vector<64x128xi32>
    %reduce_sum3A_544 = vector.shape_cast %slice3A_543 : vector<64x128xi32> to vector<1x64x128xi32>
    %reduce_sum3A_545 = arith.constant dense<0> : vector<1xi32>
    %reduce_sum3A_546 = vector.multi_reduction <add>, %reduce_sum3A_544, %reduce_sum3A_545 [1, 2] : vector<1x64x128xi32> to vector<1xi32>
    %reduce_sum3A_547 = vector.shape_cast %reduce_sum3A_546 : vector<1xi32> to vector<1x1x1xi32>
    %reduce_sum3A_548 = vector.extract %reduce_sum3A_547[0, 0, 0] : i32 from vector<1x1x1xi32>
    %add3A_549 = arith.constant 63 : i32
    %add3A_550 = arith.addi %reduce_sum3A_548, %add3A_549 : i32
    %jit3A_551 = arith.constant 64 : i32
    %div3A_552 = arith.divsi %add3A_550, %jit3A_551 : i32
    %sign3A_553 = arith.constant 0 : i32
    %sign3A_554 = arith.cmpi sgt, %add3A_550, %sign3A_553 : i32
    %sign3A_555 = arith.extui %sign3A_554 : i1 to i32
    %sign3A_556 = arith.constant 0 : i32
    %sign3A_557 = arith.cmpi slt, %add3A_550, %sign3A_556 : i32
    %sign3A_558 = arith.extui %sign3A_557 : i1 to i32
    %sign3A_559 = arith.subi %sign3A_555, %sign3A_558 : i32
    %sign3A_560 = arith.constant 0 : i32
    %sign3A_561 = arith.cmpi sgt, %jit3A_551, %sign3A_560 : i32
    %sign3A_562 = arith.extui %sign3A_561 : i1 to i32
    %sign3A_563 = arith.constant 0 : i32
    %sign3A_564 = arith.cmpi slt, %jit3A_551, %sign3A_563 : i32
    %sign3A_565 = arith.extui %sign3A_564 : i1 to i32
    %sign3A_566 = arith.subi %sign3A_562, %sign3A_565 : i32
    %ne3A_567 = arith.cmpi ne, %sign3A_559, %sign3A_566 : i32
    %rem3A_568 = arith.remsi %add3A_550, %jit3A_551 : i32
    %ne3A_569 = arith.constant 0 : i32
    %ne3A_570 = arith.cmpi ne, %rem3A_568, %ne3A_569 : i32
    %and3A_571 = arith.andi %ne3A_567, %ne3A_570 : i1
    %sub3A_572 = arith.constant 1 : i32
    %sub3A_573 = arith.subi %div3A_552, %sub3A_572 : i32
    %select_n3A_574 = arith.select %and3A_571, %sub3A_573, %div3A_552 : i32
    %mul3A_575 = arith.constant 64 : i32
    %mul3A_576 = arith.muli %select_n3A_574, %mul3A_575 : i32
    %add3A_577 = arith.addi %add3A_540, %mul3A_576 : i32
    %swap3A_578 = arith.constant 15 : index
    %swap3A_579 = memref.load %arg2[%swap3A_578] : memref<32xi32, #tpu.memory_space<smem>>
    memref.store %add3A_577, %arg2[%swap3A_578] : memref<32xi32, #tpu.memory_space<smem>>
    %slice3A_580 = vector.extract_strided_slice %convert_element_type3A_28 {offsets = [960, 0], sizes = [64, 128], strides = [1, 1]} : vector<2048x128xi32> to vector<64x128xi32>
    %reduce_sum3A_581 = vector.shape_cast %slice3A_580 : vector<64x128xi32> to vector<1x64x128xi32>
    %reduce_sum3A_582 = arith.constant dense<0> : vector<1xi32>
    %reduce_sum3A_583 = vector.multi_reduction <add>, %reduce_sum3A_581, %reduce_sum3A_582 [1, 2] : vector<1x64x128xi32> to vector<1xi32>
    %reduce_sum3A_584 = vector.shape_cast %reduce_sum3A_583 : vector<1xi32> to vector<1x1x1xi32>
    %reduce_sum3A_585 = vector.extract %reduce_sum3A_584[0, 0, 0] : i32 from vector<1x1x1xi32>
    %add3A_586 = arith.constant 63 : i32
    %add3A_587 = arith.addi %reduce_sum3A_585, %add3A_586 : i32
    %jit3A_588 = arith.constant 64 : i32
    %div3A_589 = arith.divsi %add3A_587, %jit3A_588 : i32
    %sign3A_590 = arith.constant 0 : i32
    %sign3A_591 = arith.cmpi sgt, %add3A_587, %sign3A_590 : i32
    %sign3A_592 = arith.extui %sign3A_591 : i1 to i32
    %sign3A_593 = arith.constant 0 : i32
    %sign3A_594 = arith.cmpi slt, %add3A_587, %sign3A_593 : i32
    %sign3A_595 = arith.extui %sign3A_594 : i1 to i32
    %sign3A_596 = arith.subi %sign3A_592, %sign3A_595 : i32
    %sign3A_597 = arith.constant 0 : i32
    %sign3A_598 = arith.cmpi sgt, %jit3A_588, %sign3A_597 : i32
    %sign3A_599 = arith.extui %sign3A_598 : i1 to i32
    %sign3A_600 = arith.constant 0 : i32
    %sign3A_601 = arith.cmpi slt, %jit3A_588, %sign3A_600 : i32
    %sign3A_602 = arith.extui %sign3A_601 : i1 to i32
    %sign3A_603 = arith.subi %sign3A_599, %sign3A_602 : i32
    %ne3A_604 = arith.cmpi ne, %sign3A_596, %sign3A_603 : i32
    %rem3A_605 = arith.remsi %add3A_587, %jit3A_588 : i32
    %ne3A_606 = arith.constant 0 : i32
    %ne3A_607 = arith.cmpi ne, %rem3A_605, %ne3A_606 : i32
    %and3A_608 = arith.andi %ne3A_604, %ne3A_607 : i1
    %sub3A_609 = arith.constant 1 : i32
    %sub3A_610 = arith.subi %div3A_589, %sub3A_609 : i32
    %select_n3A_611 = arith.select %and3A_608, %sub3A_610, %div3A_589 : i32
    %mul3A_612 = arith.constant 64 : i32
    %mul3A_613 = arith.muli %select_n3A_611, %mul3A_612 : i32
    %add3A_614 = arith.addi %add3A_577, %mul3A_613 : i32
    %swap3A_615 = arith.constant 16 : index
    %swap3A_616 = memref.load %arg2[%swap3A_615] : memref<32xi32, #tpu.memory_space<smem>>
    memref.store %add3A_614, %arg2[%swap3A_615] : memref<32xi32, #tpu.memory_space<smem>>
    %slice3A_617 = vector.extract_strided_slice %convert_element_type3A_28 {offsets = [1024, 0], sizes = [64, 128], strides = [1, 1]} : vector<2048x128xi32> to vector<64x128xi32>
    %reduce_sum3A_618 = vector.shape_cast %slice3A_617 : vector<64x128xi32> to vector<1x64x128xi32>
    %reduce_sum3A_619 = arith.constant dense<0> : vector<1xi32>
    %reduce_sum3A_620 = vector.multi_reduction <add>, %reduce_sum3A_618, %reduce_sum3A_619 [1, 2] : vector<1x64x128xi32> to vector<1xi32>
    %reduce_sum3A_621 = vector.shape_cast %reduce_sum3A_620 : vector<1xi32> to vector<1x1x1xi32>
    %reduce_sum3A_622 = vector.extract %reduce_sum3A_621[0, 0, 0] : i32 from vector<1x1x1xi32>
    %add3A_623 = arith.constant 63 : i32
    %add3A_624 = arith.addi %reduce_sum3A_622, %add3A_623 : i32
    %jit3A_625 = arith.constant 64 : i32
    %div3A_626 = arith.divsi %add3A_624, %jit3A_625 : i32
    %sign3A_627 = arith.constant 0 : i32
    %sign3A_628 = arith.cmpi sgt, %add3A_624, %sign3A_627 : i32
    %sign3A_629 = arith.extui %sign3A_628 : i1 to i32
    %sign3A_630 = arith.constant 0 : i32
    %sign3A_631 = arith.cmpi slt, %add3A_624, %sign3A_630 : i32
    %sign3A_632 = arith.extui %sign3A_631 : i1 to i32
    %sign3A_633 = arith.subi %sign3A_629, %sign3A_632 : i32
    %sign3A_634 = arith.constant 0 : i32
    %sign3A_635 = arith.cmpi sgt, %jit3A_625, %sign3A_634 : i32
    %sign3A_636 = arith.extui %sign3A_635 : i1 to i32
    %sign3A_637 = arith.constant 0 : i32
    %sign3A_638 = arith.cmpi slt, %jit3A_625, %sign3A_637 : i32
    %sign3A_639 = arith.extui %sign3A_638 : i1 to i32
    %sign3A_640 = arith.subi %sign3A_636, %sign3A_639 : i32
    %ne3A_641 = arith.cmpi ne, %sign3A_633, %sign3A_640 : i32
    %rem3A_642 = arith.remsi %add3A_624, %jit3A_625 : i32
    %ne3A_643 = arith.constant 0 : i32
    %ne3A_644 = arith.cmpi ne, %rem3A_642, %ne3A_643 : i32
    %and3A_645 = arith.andi %ne3A_641, %ne3A_644 : i1
    %sub3A_646 = arith.constant 1 : i32
    %sub3A_647 = arith.subi %div3A_626, %sub3A_646 : i32
    %select_n3A_648 = arith.select %and3A_645, %sub3A_647, %div3A_626 : i32
    %mul3A_649 = arith.constant 64 : i32
    %mul3A_650 = arith.muli %select_n3A_648, %mul3A_649 : i32
    %add3A_651 = arith.addi %add3A_614, %mul3A_650 : i32
    %swap3A_652 = arith.constant 17 : index
    %swap3A_653 = memref.load %arg2[%swap3A_652] : memref<32xi32, #tpu.memory_space<smem>>
    memref.store %add3A_651, %arg2[%swap3A_652] : memref<32xi32, #tpu.memory_space<smem>>
    %slice3A_654 = vector.extract_strided_slice %convert_element_type3A_28 {offsets = [1088, 0], sizes = [64, 128], strides = [1, 1]} : vector<2048x128xi32> to vector<64x128xi32>
    %reduce_sum3A_655 = vector.shape_cast %slice3A_654 : vector<64x128xi32> to vector<1x64x128xi32>
    %reduce_sum3A_656 = arith.constant dense<0> : vector<1xi32>
    %reduce_sum3A_657 = vector.multi_reduction <add>, %reduce_sum3A_655, %reduce_sum3A_656 [1, 2] : vector<1x64x128xi32> to vector<1xi32>
    %reduce_sum3A_658 = vector.shape_cast %reduce_sum3A_657 : vector<1xi32> to vector<1x1x1xi32>
    %reduce_sum3A_659 = vector.extract %reduce_sum3A_658[0, 0, 0] : i32 from vector<1x1x1xi32>
    %add3A_660 = arith.constant 63 : i32
    %add3A_661 = arith.addi %reduce_sum3A_659, %add3A_660 : i32
    %jit3A_662 = arith.constant 64 : i32
    %div3A_663 = arith.divsi %add3A_661, %jit3A_662 : i32
    %sign3A_664 = arith.constant 0 : i32
    %sign3A_665 = arith.cmpi sgt, %add3A_661, %sign3A_664 : i32
    %sign3A_666 = arith.extui %sign3A_665 : i1 to i32
    %sign3A_667 = arith.constant 0 : i32
    %sign3A_668 = arith.cmpi slt, %add3A_661, %sign3A_667 : i32
    %sign3A_669 = arith.extui %sign3A_668 : i1 to i32
    %sign3A_670 = arith.subi %sign3A_666, %sign3A_669 : i32
    %sign3A_671 = arith.constant 0 : i32
    %sign3A_672 = arith.cmpi sgt, %jit3A_662, %sign3A_671 : i32
    %sign3A_673 = arith.extui %sign3A_672 : i1 to i32
    %sign3A_674 = arith.constant 0 : i32
    %sign3A_675 = arith.cmpi slt, %jit3A_662, %sign3A_674 : i32
    %sign3A_676 = arith.extui %sign3A_675 : i1 to i32
    %sign3A_677 = arith.subi %sign3A_673, %sign3A_676 : i32
    %ne3A_678 = arith.cmpi ne, %sign3A_670, %sign3A_677 : i32
    %rem3A_679 = arith.remsi %add3A_661, %jit3A_662 : i32
    %ne3A_680 = arith.constant 0 : i32
    %ne3A_681 = arith.cmpi ne, %rem3A_679, %ne3A_680 : i32
    %and3A_682 = arith.andi %ne3A_678, %ne3A_681 : i1
    %sub3A_683 = arith.constant 1 : i32
    %sub3A_684 = arith.subi %div3A_663, %sub3A_683 : i32
    %select_n3A_685 = arith.select %and3A_682, %sub3A_684, %div3A_663 : i32
    %mul3A_686 = arith.constant 64 : i32
    %mul3A_687 = arith.muli %select_n3A_685, %mul3A_686 : i32
    %add3A_688 = arith.addi %add3A_651, %mul3A_687 : i32
    %swap3A_689 = arith.constant 18 : index
    %swap3A_690 = memref.load %arg2[%swap3A_689] : memref<32xi32, #tpu.memory_space<smem>>
    memref.store %add3A_688, %arg2[%swap3A_689] : memref<32xi32, #tpu.memory_space<smem>>
    %slice3A_691 = vector.extract_strided_slice %convert_element_type3A_28 {offsets = [1152, 0], sizes = [64, 128], strides = [1, 1]} : vector<2048x128xi32> to vector<64x128xi32>
    %reduce_sum3A_692 = vector.shape_cast %slice3A_691 : vector<64x128xi32> to vector<1x64x128xi32>
    %reduce_sum3A_693 = arith.constant dense<0> : vector<1xi32>
    %reduce_sum3A_694 = vector.multi_reduction <add>, %reduce_sum3A_692, %reduce_sum3A_693 [1, 2] : vector<1x64x128xi32> to vector<1xi32>
    %reduce_sum3A_695 = vector.shape_cast %reduce_sum3A_694 : vector<1xi32> to vector<1x1x1xi32>
    %reduce_sum3A_696 = vector.extract %reduce_sum3A_695[0, 0, 0] : i32 from vector<1x1x1xi32>
    %add3A_697 = arith.constant 63 : i32
    %add3A_698 = arith.addi %reduce_sum3A_696, %add3A_697 : i32
    %jit3A_699 = arith.constant 64 : i32
    %div3A_700 = arith.divsi %add3A_698, %jit3A_699 : i32
    %sign3A_701 = arith.constant 0 : i32
    %sign3A_702 = arith.cmpi sgt, %add3A_698, %sign3A_701 : i32
    %sign3A_703 = arith.extui %sign3A_702 : i1 to i32
    %sign3A_704 = arith.constant 0 : i32
    %sign3A_705 = arith.cmpi slt, %add3A_698, %sign3A_704 : i32
    %sign3A_706 = arith.extui %sign3A_705 : i1 to i32
    %sign3A_707 = arith.subi %sign3A_703, %sign3A_706 : i32
    %sign3A_708 = arith.constant 0 : i32
    %sign3A_709 = arith.cmpi sgt, %jit3A_699, %sign3A_708 : i32
    %sign3A_710 = arith.extui %sign3A_709 : i1 to i32
    %sign3A_711 = arith.constant 0 : i32
    %sign3A_712 = arith.cmpi slt, %jit3A_699, %sign3A_711 : i32
    %sign3A_713 = arith.extui %sign3A_712 : i1 to i32
    %sign3A_714 = arith.subi %sign3A_710, %sign3A_713 : i32
    %ne3A_715 = arith.cmpi ne, %sign3A_707, %sign3A_714 : i32
    %rem3A_716 = arith.remsi %add3A_698, %jit3A_699 : i32
    %ne3A_717 = arith.constant 0 : i32
    %ne3A_718 = arith.cmpi ne, %rem3A_716, %ne3A_717 : i32
    %and3A_719 = arith.andi %ne3A_715, %ne3A_718 : i1
    %sub3A_720 = arith.constant 1 : i32
    %sub3A_721 = arith.subi %div3A_700, %sub3A_720 : i32
    %select_n3A_722 = arith.select %and3A_719, %sub3A_721, %div3A_700 : i32
    %mul3A_723 = arith.constant 64 : i32
    %mul3A_724 = arith.muli %select_n3A_722, %mul3A_723 : i32
    %add3A_725 = arith.addi %add3A_688, %mul3A_724 : i32
    %swap3A_726 = arith.constant 19 : index
    %swap3A_727 = memref.load %arg2[%swap3A_726] : memref<32xi32, #tpu.memory_space<smem>>
    memref.store %add3A_725, %arg2[%swap3A_726] : memref<32xi32, #tpu.memory_space<smem>>
    %slice3A_728 = vector.extract_strided_slice %convert_element_type3A_28 {offsets = [1216, 0], sizes = [64, 128], strides = [1, 1]} : vector<2048x128xi32> to vector<64x128xi32>
    %reduce_sum3A_729 = vector.shape_cast %slice3A_728 : vector<64x128xi32> to vector<1x64x128xi32>
    %reduce_sum3A_730 = arith.constant dense<0> : vector<1xi32>
    %reduce_sum3A_731 = vector.multi_reduction <add>, %reduce_sum3A_729, %reduce_sum3A_730 [1, 2] : vector<1x64x128xi32> to vector<1xi32>
    %reduce_sum3A_732 = vector.shape_cast %reduce_sum3A_731 : vector<1xi32> to vector<1x1x1xi32>
    %reduce_sum3A_733 = vector.extract %reduce_sum3A_732[0, 0, 0] : i32 from vector<1x1x1xi32>
    %add3A_734 = arith.constant 63 : i32
    %add3A_735 = arith.addi %reduce_sum3A_733, %add3A_734 : i32
    %jit3A_736 = arith.constant 64 : i32
    %div3A_737 = arith.divsi %add3A_735, %jit3A_736 : i32
    %sign3A_738 = arith.constant 0 : i32
    %sign3A_739 = arith.cmpi sgt, %add3A_735, %sign3A_738 : i32
    %sign3A_740 = arith.extui %sign3A_739 : i1 to i32
    %sign3A_741 = arith.constant 0 : i32
    %sign3A_742 = arith.cmpi slt, %add3A_735, %sign3A_741 : i32
    %sign3A_743 = arith.extui %sign3A_742 : i1 to i32
    %sign3A_744 = arith.subi %sign3A_740, %sign3A_743 : i32
    %sign3A_745 = arith.constant 0 : i32
    %sign3A_746 = arith.cmpi sgt, %jit3A_736, %sign3A_745 : i32
    %sign3A_747 = arith.extui %sign3A_746 : i1 to i32
    %sign3A_748 = arith.constant 0 : i32
    %sign3A_749 = arith.cmpi slt, %jit3A_736, %sign3A_748 : i32
    %sign3A_750 = arith.extui %sign3A_749 : i1 to i32
    %sign3A_751 = arith.subi %sign3A_747, %sign3A_750 : i32
    %ne3A_752 = arith.cmpi ne, %sign3A_744, %sign3A_751 : i32
    %rem3A_753 = arith.remsi %add3A_735, %jit3A_736 : i32
    %ne3A_754 = arith.constant 0 : i32
    %ne3A_755 = arith.cmpi ne, %rem3A_753, %ne3A_754 : i32
    %and3A_756 = arith.andi %ne3A_752, %ne3A_755 : i1
    %sub3A_757 = arith.constant 1 : i32
    %sub3A_758 = arith.subi %div3A_737, %sub3A_757 : i32
    %select_n3A_759 = arith.select %and3A_756, %sub3A_758, %div3A_737 : i32
    %mul3A_760 = arith.constant 64 : i32
    %mul3A_761 = arith.muli %select_n3A_759, %mul3A_760 : i32
    %add3A_762 = arith.addi %add3A_725, %mul3A_761 : i32
    %swap3A_763 = arith.constant 20 : index
    %swap3A_764 = memref.load %arg2[%swap3A_763] : memref<32xi32, #tpu.memory_space<smem>>
    memref.store %add3A_762, %arg2[%swap3A_763] : memref<32xi32, #tpu.memory_space<smem>>
    %slice3A_765 = vector.extract_strided_slice %convert_element_type3A_28 {offsets = [1280, 0], sizes = [64, 128], strides = [1, 1]} : vector<2048x128xi32> to vector<64x128xi32>
    %reduce_sum3A_766 = vector.shape_cast %slice3A_765 : vector<64x128xi32> to vector<1x64x128xi32>
    %reduce_sum3A_767 = arith.constant dense<0> : vector<1xi32>
    %reduce_sum3A_768 = vector.multi_reduction <add>, %reduce_sum3A_766, %reduce_sum3A_767 [1, 2] : vector<1x64x128xi32> to vector<1xi32>
    %reduce_sum3A_769 = vector.shape_cast %reduce_sum3A_768 : vector<1xi32> to vector<1x1x1xi32>
    %reduce_sum3A_770 = vector.extract %reduce_sum3A_769[0, 0, 0] : i32 from vector<1x1x1xi32>
    %add3A_771 = arith.constant 63 : i32
    %add3A_772 = arith.addi %reduce_sum3A_770, %add3A_771 : i32
    %jit3A_773 = arith.constant 64 : i32
    %div3A_774 = arith.divsi %add3A_772, %jit3A_773 : i32
    %sign3A_775 = arith.constant 0 : i32
    %sign3A_776 = arith.cmpi sgt, %add3A_772, %sign3A_775 : i32
    %sign3A_777 = arith.extui %sign3A_776 : i1 to i32
    %sign3A_778 = arith.constant 0 : i32
    %sign3A_779 = arith.cmpi slt, %add3A_772, %sign3A_778 : i32
    %sign3A_780 = arith.extui %sign3A_779 : i1 to i32
    %sign3A_781 = arith.subi %sign3A_777, %sign3A_780 : i32
    %sign3A_782 = arith.constant 0 : i32
    %sign3A_783 = arith.cmpi sgt, %jit3A_773, %sign3A_782 : i32
    %sign3A_784 = arith.extui %sign3A_783 : i1 to i32
    %sign3A_785 = arith.constant 0 : i32
    %sign3A_786 = arith.cmpi slt, %jit3A_773, %sign3A_785 : i32
    %sign3A_787 = arith.extui %sign3A_786 : i1 to i32
    %sign3A_788 = arith.subi %sign3A_784, %sign3A_787 : i32
    %ne3A_789 = arith.cmpi ne, %sign3A_781, %sign3A_788 : i32
    %rem3A_790 = arith.remsi %add3A_772, %jit3A_773 : i32
    %ne3A_791 = arith.constant 0 : i32
    %ne3A_792 = arith.cmpi ne, %rem3A_790, %ne3A_791 : i32
    %and3A_793 = arith.andi %ne3A_789, %ne3A_792 : i1
    %sub3A_794 = arith.constant 1 : i32
    %sub3A_795 = arith.subi %div3A_774, %sub3A_794 : i32
    %select_n3A_796 = arith.select %and3A_793, %sub3A_795, %div3A_774 : i32
    %mul3A_797 = arith.constant 64 : i32
    %mul3A_798 = arith.muli %select_n3A_796, %mul3A_797 : i32
    %add3A_799 = arith.addi %add3A_762, %mul3A_798 : i32
    %swap3A_800 = arith.constant 21 : index
    %swap3A_801 = memref.load %arg2[%swap3A_800] : memref<32xi32, #tpu.memory_space<smem>>
    memref.store %add3A_799, %arg2[%swap3A_800] : memref<32xi32, #tpu.memory_space<smem>>
    %slice3A_802 = vector.extract_strided_slice %convert_element_type3A_28 {offsets = [1344, 0], sizes = [64, 128], strides = [1, 1]} : vector<2048x128xi32> to vector<64x128xi32>
    %reduce_sum3A_803 = vector.shape_cast %slice3A_802 : vector<64x128xi32> to vector<1x64x128xi32>
    %reduce_sum3A_804 = arith.constant dense<0> : vector<1xi32>
    %reduce_sum3A_805 = vector.multi_reduction <add>, %reduce_sum3A_803, %reduce_sum3A_804 [1, 2] : vector<1x64x128xi32> to vector<1xi32>
    %reduce_sum3A_806 = vector.shape_cast %reduce_sum3A_805 : vector<1xi32> to vector<1x1x1xi32>
    %reduce_sum3A_807 = vector.extract %reduce_sum3A_806[0, 0, 0] : i32 from vector<1x1x1xi32>
    %add3A_808 = arith.constant 63 : i32
    %add3A_809 = arith.addi %reduce_sum3A_807, %add3A_808 : i32
    %jit3A_810 = arith.constant 64 : i32
    %div3A_811 = arith.divsi %add3A_809, %jit3A_810 : i32
    %sign3A_812 = arith.constant 0 : i32
    %sign3A_813 = arith.cmpi sgt, %add3A_809, %sign3A_812 : i32
    %sign3A_814 = arith.extui %sign3A_813 : i1 to i32
    %sign3A_815 = arith.constant 0 : i32
    %sign3A_816 = arith.cmpi slt, %add3A_809, %sign3A_815 : i32
    %sign3A_817 = arith.extui %sign3A_816 : i1 to i32
    %sign3A_818 = arith.subi %sign3A_814, %sign3A_817 : i32
    %sign3A_819 = arith.constant 0 : i32
    %sign3A_820 = arith.cmpi sgt, %jit3A_810, %sign3A_819 : i32
    %sign3A_821 = arith.extui %sign3A_820 : i1 to i32
    %sign3A_822 = arith.constant 0 : i32
    %sign3A_823 = arith.cmpi slt, %jit3A_810, %sign3A_822 : i32
    %sign3A_824 = arith.extui %sign3A_823 : i1 to i32
    %sign3A_825 = arith.subi %sign3A_821, %sign3A_824 : i32
    %ne3A_826 = arith.cmpi ne, %sign3A_818, %sign3A_825 : i32
    %rem3A_827 = arith.remsi %add3A_809, %jit3A_810 : i32
    %ne3A_828 = arith.constant 0 : i32
    %ne3A_829 = arith.cmpi ne, %rem3A_827, %ne3A_828 : i32
    %and3A_830 = arith.andi %ne3A_826, %ne3A_829 : i1
    %sub3A_831 = arith.constant 1 : i32
    %sub3A_832 = arith.subi %div3A_811, %sub3A_831 : i32
    %select_n3A_833 = arith.select %and3A_830, %sub3A_832, %div3A_811 : i32
    %mul3A_834 = arith.constant 64 : i32
    %mul3A_835 = arith.muli %select_n3A_833, %mul3A_834 : i32
    %add3A_836 = arith.addi %add3A_799, %mul3A_835 : i32
    %swap3A_837 = arith.constant 22 : index
    %swap3A_838 = memref.load %arg2[%swap3A_837] : memref<32xi32, #tpu.memory_space<smem>>
    memref.store %add3A_836, %arg2[%swap3A_837] : memref<32xi32, #tpu.memory_space<smem>>
    %slice3A_839 = vector.extract_strided_slice %convert_element_type3A_28 {offsets = [1408, 0], sizes = [64, 128], strides = [1, 1]} : vector<2048x128xi32> to vector<64x128xi32>
    %reduce_sum3A_840 = vector.shape_cast %slice3A_839 : vector<64x128xi32> to vector<1x64x128xi32>
    %reduce_sum3A_841 = arith.constant dense<0> : vector<1xi32>
    %reduce_sum3A_842 = vector.multi_reduction <add>, %reduce_sum3A_840, %reduce_sum3A_841 [1, 2] : vector<1x64x128xi32> to vector<1xi32>
    %reduce_sum3A_843 = vector.shape_cast %reduce_sum3A_842 : vector<1xi32> to vector<1x1x1xi32>
    %reduce_sum3A_844 = vector.extract %reduce_sum3A_843[0, 0, 0] : i32 from vector<1x1x1xi32>
    %add3A_845 = arith.constant 63 : i32
    %add3A_846 = arith.addi %reduce_sum3A_844, %add3A_845 : i32
    %jit3A_847 = arith.constant 64 : i32
    %div3A_848 = arith.divsi %add3A_846, %jit3A_847 : i32
    %sign3A_849 = arith.constant 0 : i32
    %sign3A_850 = arith.cmpi sgt, %add3A_846, %sign3A_849 : i32
    %sign3A_851 = arith.extui %sign3A_850 : i1 to i32
    %sign3A_852 = arith.constant 0 : i32
    %sign3A_853 = arith.cmpi slt, %add3A_846, %sign3A_852 : i32
    %sign3A_854 = arith.extui %sign3A_853 : i1 to i32
    %sign3A_855 = arith.subi %sign3A_851, %sign3A_854 : i32
    %sign3A_856 = arith.constant 0 : i32
    %sign3A_857 = arith.cmpi sgt, %jit3A_847, %sign3A_856 : i32
    %sign3A_858 = arith.extui %sign3A_857 : i1 to i32
    %sign3A_859 = arith.constant 0 : i32
    %sign3A_860 = arith.cmpi slt, %jit3A_847, %sign3A_859 : i32
    %sign3A_861 = arith.extui %sign3A_860 : i1 to i32
    %sign3A_862 = arith.subi %sign3A_858, %sign3A_861 : i32
    %ne3A_863 = arith.cmpi ne, %sign3A_855, %sign3A_862 : i32
    %rem3A_864 = arith.remsi %add3A_846, %jit3A_847 : i32
    %ne3A_865 = arith.constant 0 : i32
    %ne3A_866 = arith.cmpi ne, %rem3A_864, %ne3A_865 : i32
    %and3A_867 = arith.andi %ne3A_863, %ne3A_866 : i1
    %sub3A_868 = arith.constant 1 : i32
    %sub3A_869 = arith.subi %div3A_848, %sub3A_868 : i32
    %select_n3A_870 = arith.select %and3A_867, %sub3A_869, %div3A_848 : i32
    %mul3A_871 = arith.constant 64 : i32
    %mul3A_872 = arith.muli %select_n3A_870, %mul3A_871 : i32
    %add3A_873 = arith.addi %add3A_836, %mul3A_872 : i32
    %swap3A_874 = arith.constant 23 : index
    %swap3A_875 = memref.load %arg2[%swap3A_874] : memref<32xi32, #tpu.memory_space<smem>>
    memref.store %add3A_873, %arg2[%swap3A_874] : memref<32xi32, #tpu.memory_space<smem>>
    %slice3A_876 = vector.extract_strided_slice %convert_element_type3A_28 {offsets = [1472, 0], sizes = [64, 128], strides = [1, 1]} : vector<2048x128xi32> to vector<64x128xi32>
    %reduce_sum3A_877 = vector.shape_cast %slice3A_876 : vector<64x128xi32> to vector<1x64x128xi32>
    %reduce_sum3A_878 = arith.constant dense<0> : vector<1xi32>
    %reduce_sum3A_879 = vector.multi_reduction <add>, %reduce_sum3A_877, %reduce_sum3A_878 [1, 2] : vector<1x64x128xi32> to vector<1xi32>
    %reduce_sum3A_880 = vector.shape_cast %reduce_sum3A_879 : vector<1xi32> to vector<1x1x1xi32>
    %reduce_sum3A_881 = vector.extract %reduce_sum3A_880[0, 0, 0] : i32 from vector<1x1x1xi32>
    %add3A_882 = arith.constant 63 : i32
    %add3A_883 = arith.addi %reduce_sum3A_881, %add3A_882 : i32
    %jit3A_884 = arith.constant 64 : i32
    %div3A_885 = arith.divsi %add3A_883, %jit3A_884 : i32
    %sign3A_886 = arith.constant 0 : i32
    %sign3A_887 = arith.cmpi sgt, %add3A_883, %sign3A_886 : i32
    %sign3A_888 = arith.extui %sign3A_887 : i1 to i32
    %sign3A_889 = arith.constant 0 : i32
    %sign3A_890 = arith.cmpi slt, %add3A_883, %sign3A_889 : i32
    %sign3A_891 = arith.extui %sign3A_890 : i1 to i32
    %sign3A_892 = arith.subi %sign3A_888, %sign3A_891 : i32
    %sign3A_893 = arith.constant 0 : i32
    %sign3A_894 = arith.cmpi sgt, %jit3A_884, %sign3A_893 : i32
    %sign3A_895 = arith.extui %sign3A_894 : i1 to i32
    %sign3A_896 = arith.constant 0 : i32
    %sign3A_897 = arith.cmpi slt, %jit3A_884, %sign3A_896 : i32
    %sign3A_898 = arith.extui %sign3A_897 : i1 to i32
    %sign3A_899 = arith.subi %sign3A_895, %sign3A_898 : i32
    %ne3A_900 = arith.cmpi ne, %sign3A_892, %sign3A_899 : i32
    %rem3A_901 = arith.remsi %add3A_883, %jit3A_884 : i32
    %ne3A_902 = arith.constant 0 : i32
    %ne3A_903 = arith.cmpi ne, %rem3A_901, %ne3A_902 : i32
    %and3A_904 = arith.andi %ne3A_900, %ne3A_903 : i1
    %sub3A_905 = arith.constant 1 : i32
    %sub3A_906 = arith.subi %div3A_885, %sub3A_905 : i32
    %select_n3A_907 = arith.select %and3A_904, %sub3A_906, %div3A_885 : i32
    %mul3A_908 = arith.constant 64 : i32
    %mul3A_909 = arith.muli %select_n3A_907, %mul3A_908 : i32
    %add3A_910 = arith.addi %add3A_873, %mul3A_909 : i32
    %swap3A_911 = arith.constant 24 : index
    %swap3A_912 = memref.load %arg2[%swap3A_911] : memref<32xi32, #tpu.memory_space<smem>>
    memref.store %add3A_910, %arg2[%swap3A_911] : memref<32xi32, #tpu.memory_space<smem>>
    %slice3A_913 = vector.extract_strided_slice %convert_element_type3A_28 {offsets = [1536, 0], sizes = [64, 128], strides = [1, 1]} : vector<2048x128xi32> to vector<64x128xi32>
    %reduce_sum3A_914 = vector.shape_cast %slice3A_913 : vector<64x128xi32> to vector<1x64x128xi32>
    %reduce_sum3A_915 = arith.constant dense<0> : vector<1xi32>
    %reduce_sum3A_916 = vector.multi_reduction <add>, %reduce_sum3A_914, %reduce_sum3A_915 [1, 2] : vector<1x64x128xi32> to vector<1xi32>
    %reduce_sum3A_917 = vector.shape_cast %reduce_sum3A_916 : vector<1xi32> to vector<1x1x1xi32>
    %reduce_sum3A_918 = vector.extract %reduce_sum3A_917[0, 0, 0] : i32 from vector<1x1x1xi32>
    %add3A_919 = arith.constant 63 : i32
    %add3A_920 = arith.addi %reduce_sum3A_918, %add3A_919 : i32
    %jit3A_921 = arith.constant 64 : i32
    %div3A_922 = arith.divsi %add3A_920, %jit3A_921 : i32
    %sign3A_923 = arith.constant 0 : i32
    %sign3A_924 = arith.cmpi sgt, %add3A_920, %sign3A_923 : i32
    %sign3A_925 = arith.extui %sign3A_924 : i1 to i32
    %sign3A_926 = arith.constant 0 : i32
    %sign3A_927 = arith.cmpi slt, %add3A_920, %sign3A_926 : i32
    %sign3A_928 = arith.extui %sign3A_927 : i1 to i32
    %sign3A_929 = arith.subi %sign3A_925, %sign3A_928 : i32
    %sign3A_930 = arith.constant 0 : i32
    %sign3A_931 = arith.cmpi sgt, %jit3A_921, %sign3A_930 : i32
    %sign3A_932 = arith.extui %sign3A_931 : i1 to i32
    %sign3A_933 = arith.constant 0 : i32
    %sign3A_934 = arith.cmpi slt, %jit3A_921, %sign3A_933 : i32
    %sign3A_935 = arith.extui %sign3A_934 : i1 to i32
    %sign3A_936 = arith.subi %sign3A_932, %sign3A_935 : i32
    %ne3A_937 = arith.cmpi ne, %sign3A_929, %sign3A_936 : i32
    %rem3A_938 = arith.remsi %add3A_920, %jit3A_921 : i32
    %ne3A_939 = arith.constant 0 : i32
    %ne3A_940 = arith.cmpi ne, %rem3A_938, %ne3A_939 : i32
    %and3A_941 = arith.andi %ne3A_937, %ne3A_940 : i1
    %sub3A_942 = arith.constant 1 : i32
    %sub3A_943 = arith.subi %div3A_922, %sub3A_942 : i32
    %select_n3A_944 = arith.select %and3A_941, %sub3A_943, %div3A_922 : i32
    %mul3A_945 = arith.constant 64 : i32
    %mul3A_946 = arith.muli %select_n3A_944, %mul3A_945 : i32
    %add3A_947 = arith.addi %add3A_910, %mul3A_946 : i32
    %swap3A_948 = arith.constant 25 : index
    %swap3A_949 = memref.load %arg2[%swap3A_948] : memref<32xi32, #tpu.memory_space<smem>>
    memref.store %add3A_947, %arg2[%swap3A_948] : memref<32xi32, #tpu.memory_space<smem>>
    %slice3A_950 = vector.extract_strided_slice %convert_element_type3A_28 {offsets = [1600, 0], sizes = [64, 128], strides = [1, 1]} : vector<2048x128xi32> to vector<64x128xi32>
    %reduce_sum3A_951 = vector.shape_cast %slice3A_950 : vector<64x128xi32> to vector<1x64x128xi32>
    %reduce_sum3A_952 = arith.constant dense<0> : vector<1xi32>
    %reduce_sum3A_953 = vector.multi_reduction <add>, %reduce_sum3A_951, %reduce_sum3A_952 [1, 2] : vector<1x64x128xi32> to vector<1xi32>
    %reduce_sum3A_954 = vector.shape_cast %reduce_sum3A_953 : vector<1xi32> to vector<1x1x1xi32>
    %reduce_sum3A_955 = vector.extract %reduce_sum3A_954[0, 0, 0] : i32 from vector<1x1x1xi32>
    %add3A_956 = arith.constant 63 : i32
    %add3A_957 = arith.addi %reduce_sum3A_955, %add3A_956 : i32
    %jit3A_958 = arith.constant 64 : i32
    %div3A_959 = arith.divsi %add3A_957, %jit3A_958 : i32
    %sign3A_960 = arith.constant 0 : i32
    %sign3A_961 = arith.cmpi sgt, %add3A_957, %sign3A_960 : i32
    %sign3A_962 = arith.extui %sign3A_961 : i1 to i32
    %sign3A_963 = arith.constant 0 : i32
    %sign3A_964 = arith.cmpi slt, %add3A_957, %sign3A_963 : i32
    %sign3A_965 = arith.extui %sign3A_964 : i1 to i32
    %sign3A_966 = arith.subi %sign3A_962, %sign3A_965 : i32
    %sign3A_967 = arith.constant 0 : i32
    %sign3A_968 = arith.cmpi sgt, %jit3A_958, %sign3A_967 : i32
    %sign3A_969 = arith.extui %sign3A_968 : i1 to i32
    %sign3A_970 = arith.constant 0 : i32
    %sign3A_971 = arith.cmpi slt, %jit3A_958, %sign3A_970 : i32
    %sign3A_972 = arith.extui %sign3A_971 : i1 to i32
    %sign3A_973 = arith.subi %sign3A_969, %sign3A_972 : i32
    %ne3A_974 = arith.cmpi ne, %sign3A_966, %sign3A_973 : i32
    %rem3A_975 = arith.remsi %add3A_957, %jit3A_958 : i32
    %ne3A_976 = arith.constant 0 : i32
    %ne3A_977 = arith.cmpi ne, %rem3A_975, %ne3A_976 : i32
    %and3A_978 = arith.andi %ne3A_974, %ne3A_977 : i1
    %sub3A_979 = arith.constant 1 : i32
    %sub3A_980 = arith.subi %div3A_959, %sub3A_979 : i32
    %select_n3A_981 = arith.select %and3A_978, %sub3A_980, %div3A_959 : i32
    %mul3A_982 = arith.constant 64 : i32
    %mul3A_983 = arith.muli %select_n3A_981, %mul3A_982 : i32
    %add3A_984 = arith.addi %add3A_947, %mul3A_983 : i32
    %swap3A_985 = arith.constant 26 : index
    %swap3A_986 = memref.load %arg2[%swap3A_985] : memref<32xi32, #tpu.memory_space<smem>>
    memref.store %add3A_984, %arg2[%swap3A_985] : memref<32xi32, #tpu.memory_space<smem>>
    %slice3A_987 = vector.extract_strided_slice %convert_element_type3A_28 {offsets = [1664, 0], sizes = [64, 128], strides = [1, 1]} : vector<2048x128xi32> to vector<64x128xi32>
    %reduce_sum3A_988 = vector.shape_cast %slice3A_987 : vector<64x128xi32> to vector<1x64x128xi32>
    %reduce_sum3A_989 = arith.constant dense<0> : vector<1xi32>
    %reduce_sum3A_990 = vector.multi_reduction <add>, %reduce_sum3A_988, %reduce_sum3A_989 [1, 2] : vector<1x64x128xi32> to vector<1xi32>
    %reduce_sum3A_991 = vector.shape_cast %reduce_sum3A_990 : vector<1xi32> to vector<1x1x1xi32>
    %reduce_sum3A_992 = vector.extract %reduce_sum3A_991[0, 0, 0] : i32 from vector<1x1x1xi32>
    %add3A_993 = arith.constant 63 : i32
    %add3A_994 = arith.addi %reduce_sum3A_992, %add3A_993 : i32
    %jit3A_995 = arith.constant 64 : i32
    %div3A_996 = arith.divsi %add3A_994, %jit3A_995 : i32
    %sign3A_997 = arith.constant 0 : i32
    %sign3A_998 = arith.cmpi sgt, %add3A_994, %sign3A_997 : i32
    %sign3A_999 = arith.extui %sign3A_998 : i1 to i32
    %sign3A_1000 = arith.constant 0 : i32
    %sign3A_1001 = arith.cmpi slt, %add3A_994, %sign3A_1000 : i32
    %sign3A_1002 = arith.extui %sign3A_1001 : i1 to i32
    %sign3A_1003 = arith.subi %sign3A_999, %sign3A_1002 : i32
    %sign3A_1004 = arith.constant 0 : i32
    %sign3A_1005 = arith.cmpi sgt, %jit3A_995, %sign3A_1004 : i32
    %sign3A_1006 = arith.extui %sign3A_1005 : i1 to i32
    %sign3A_1007 = arith.constant 0 : i32
    %sign3A_1008 = arith.cmpi slt, %jit3A_995, %sign3A_1007 : i32
    %sign3A_1009 = arith.extui %sign3A_1008 : i1 to i32
    %sign3A_1010 = arith.subi %sign3A_1006, %sign3A_1009 : i32
    %ne3A_1011 = arith.cmpi ne, %sign3A_1003, %sign3A_1010 : i32
    %rem3A_1012 = arith.remsi %add3A_994, %jit3A_995 : i32
    %ne3A_1013 = arith.constant 0 : i32
    %ne3A_1014 = arith.cmpi ne, %rem3A_1012, %ne3A_1013 : i32
    %and3A_1015 = arith.andi %ne3A_1011, %ne3A_1014 : i1
    %sub3A_1016 = arith.constant 1 : i32
    %sub3A_1017 = arith.subi %div3A_996, %sub3A_1016 : i32
    %select_n3A_1018 = arith.select %and3A_1015, %sub3A_1017, %div3A_996 : i32
    %mul3A_1019 = arith.constant 64 : i32
    %mul3A_1020 = arith.muli %select_n3A_1018, %mul3A_1019 : i32
    %add3A_1021 = arith.addi %add3A_984, %mul3A_1020 : i32
    %swap3A_1022 = arith.constant 27 : index
    %swap3A_1023 = memref.load %arg2[%swap3A_1022] : memref<32xi32, #tpu.memory_space<smem>>
    memref.store %add3A_1021, %arg2[%swap3A_1022] : memref<32xi32, #tpu.memory_space<smem>>
    %slice3A_1024 = vector.extract_strided_slice %convert_element_type3A_28 {offsets = [1728, 0], sizes = [64, 128], strides = [1, 1]} : vector<2048x128xi32> to vector<64x128xi32>
    %reduce_sum3A_1025 = vector.shape_cast %slice3A_1024 : vector<64x128xi32> to vector<1x64x128xi32>
    %reduce_sum3A_1026 = arith.constant dense<0> : vector<1xi32>
    %reduce_sum3A_1027 = vector.multi_reduction <add>, %reduce_sum3A_1025, %reduce_sum3A_1026 [1, 2] : vector<1x64x128xi32> to vector<1xi32>
    %reduce_sum3A_1028 = vector.shape_cast %reduce_sum3A_1027 : vector<1xi32> to vector<1x1x1xi32>
    %reduce_sum3A_1029 = vector.extract %reduce_sum3A_1028[0, 0, 0] : i32 from vector<1x1x1xi32>
    %add3A_1030 = arith.constant 63 : i32
    %add3A_1031 = arith.addi %reduce_sum3A_1029, %add3A_1030 : i32
    %jit3A_1032 = arith.constant 64 : i32
    %div3A_1033 = arith.divsi %add3A_1031, %jit3A_1032 : i32
    %sign3A_1034 = arith.constant 0 : i32
    %sign3A_1035 = arith.cmpi sgt, %add3A_1031, %sign3A_1034 : i32
    %sign3A_1036 = arith.extui %sign3A_1035 : i1 to i32
    %sign3A_1037 = arith.constant 0 : i32
    %sign3A_1038 = arith.cmpi slt, %add3A_1031, %sign3A_1037 : i32
    %sign3A_1039 = arith.extui %sign3A_1038 : i1 to i32
    %sign3A_1040 = arith.subi %sign3A_1036, %sign3A_1039 : i32
    %sign3A_1041 = arith.constant 0 : i32
    %sign3A_1042 = arith.cmpi sgt, %jit3A_1032, %sign3A_1041 : i32
    %sign3A_1043 = arith.extui %sign3A_1042 : i1 to i32
    %sign3A_1044 = arith.constant 0 : i32
    %sign3A_1045 = arith.cmpi slt, %jit3A_1032, %sign3A_1044 : i32
    %sign3A_1046 = arith.extui %sign3A_1045 : i1 to i32
    %sign3A_1047 = arith.subi %sign3A_1043, %sign3A_1046 : i32
    %ne3A_1048 = arith.cmpi ne, %sign3A_1040, %sign3A_1047 : i32
    %rem3A_1049 = arith.remsi %add3A_1031, %jit3A_1032 : i32
    %ne3A_1050 = arith.constant 0 : i32
    %ne3A_1051 = arith.cmpi ne, %rem3A_1049, %ne3A_1050 : i32
    %and3A_1052 = arith.andi %ne3A_1048, %ne3A_1051 : i1
    %sub3A_1053 = arith.constant 1 : i32
    %sub3A_1054 = arith.subi %div3A_1033, %sub3A_1053 : i32
    %select_n3A_1055 = arith.select %and3A_1052, %sub3A_1054, %div3A_1033 : i32
    %mul3A_1056 = arith.constant 64 : i32
    %mul3A_1057 = arith.muli %select_n3A_1055, %mul3A_1056 : i32
    %add3A_1058 = arith.addi %add3A_1021, %mul3A_1057 : i32
    %swap3A_1059 = arith.constant 28 : index
    %swap3A_1060 = memref.load %arg2[%swap3A_1059] : memref<32xi32, #tpu.memory_space<smem>>
    memref.store %add3A_1058, %arg2[%swap3A_1059] : memref<32xi32, #tpu.memory_space<smem>>
    %slice3A_1061 = vector.extract_strided_slice %convert_element_type3A_28 {offsets = [1792, 0], sizes = [64, 128], strides = [1, 1]} : vector<2048x128xi32> to vector<64x128xi32>
    %reduce_sum3A_1062 = vector.shape_cast %slice3A_1061 : vector<64x128xi32> to vector<1x64x128xi32>
    %reduce_sum3A_1063 = arith.constant dense<0> : vector<1xi32>
    %reduce_sum3A_1064 = vector.multi_reduction <add>, %reduce_sum3A_1062, %reduce_sum3A_1063 [1, 2] : vector<1x64x128xi32> to vector<1xi32>
    %reduce_sum3A_1065 = vector.shape_cast %reduce_sum3A_1064 : vector<1xi32> to vector<1x1x1xi32>
    %reduce_sum3A_1066 = vector.extract %reduce_sum3A_1065[0, 0, 0] : i32 from vector<1x1x1xi32>
    %add3A_1067 = arith.constant 63 : i32
    %add3A_1068 = arith.addi %reduce_sum3A_1066, %add3A_1067 : i32
    %jit3A_1069 = arith.constant 64 : i32
    %div3A_1070 = arith.divsi %add3A_1068, %jit3A_1069 : i32
    %sign3A_1071 = arith.constant 0 : i32
    %sign3A_1072 = arith.cmpi sgt, %add3A_1068, %sign3A_1071 : i32
    %sign3A_1073 = arith.extui %sign3A_1072 : i1 to i32
    %sign3A_1074 = arith.constant 0 : i32
    %sign3A_1075 = arith.cmpi slt, %add3A_1068, %sign3A_1074 : i32
    %sign3A_1076 = arith.extui %sign3A_1075 : i1 to i32
    %sign3A_1077 = arith.subi %sign3A_1073, %sign3A_1076 : i32
    %sign3A_1078 = arith.constant 0 : i32
    %sign3A_1079 = arith.cmpi sgt, %jit3A_1069, %sign3A_1078 : i32
    %sign3A_1080 = arith.extui %sign3A_1079 : i1 to i32
    %sign3A_1081 = arith.constant 0 : i32
    %sign3A_1082 = arith.cmpi slt, %jit3A_1069, %sign3A_1081 : i32
    %sign3A_1083 = arith.extui %sign3A_1082 : i1 to i32
    %sign3A_1084 = arith.subi %sign3A_1080, %sign3A_1083 : i32
    %ne3A_1085 = arith.cmpi ne, %sign3A_1077, %sign3A_1084 : i32
    %rem3A_1086 = arith.remsi %add3A_1068, %jit3A_1069 : i32
    %ne3A_1087 = arith.constant 0 : i32
    %ne3A_1088 = arith.cmpi ne, %rem3A_1086, %ne3A_1087 : i32
    %and3A_1089 = arith.andi %ne3A_1085, %ne3A_1088 : i1
    %sub3A_1090 = arith.constant 1 : i32
    %sub3A_1091 = arith.subi %div3A_1070, %sub3A_1090 : i32
    %select_n3A_1092 = arith.select %and3A_1089, %sub3A_1091, %div3A_1070 : i32
    %mul3A_1093 = arith.constant 64 : i32
    %mul3A_1094 = arith.muli %select_n3A_1092, %mul3A_1093 : i32
    %add3A_1095 = arith.addi %add3A_1058, %mul3A_1094 : i32
    %swap3A_1096 = arith.constant 29 : index
    %swap3A_1097 = memref.load %arg2[%swap3A_1096] : memref<32xi32, #tpu.memory_space<smem>>
    memref.store %add3A_1095, %arg2[%swap3A_1096] : memref<32xi32, #tpu.memory_space<smem>>
    %slice3A_1098 = vector.extract_strided_slice %convert_element_type3A_28 {offsets = [1856, 0], sizes = [64, 128], strides = [1, 1]} : vector<2048x128xi32> to vector<64x128xi32>
    %reduce_sum3A_1099 = vector.shape_cast %slice3A_1098 : vector<64x128xi32> to vector<1x64x128xi32>
    %reduce_sum3A_1100 = arith.constant dense<0> : vector<1xi32>
    %reduce_sum3A_1101 = vector.multi_reduction <add>, %reduce_sum3A_1099, %reduce_sum3A_1100 [1, 2] : vector<1x64x128xi32> to vector<1xi32>
    %reduce_sum3A_1102 = vector.shape_cast %reduce_sum3A_1101 : vector<1xi32> to vector<1x1x1xi32>
    %reduce_sum3A_1103 = vector.extract %reduce_sum3A_1102[0, 0, 0] : i32 from vector<1x1x1xi32>
    %add3A_1104 = arith.constant 63 : i32
    %add3A_1105 = arith.addi %reduce_sum3A_1103, %add3A_1104 : i32
    %jit3A_1106 = arith.constant 64 : i32
    %div3A_1107 = arith.divsi %add3A_1105, %jit3A_1106 : i32
    %sign3A_1108 = arith.constant 0 : i32
    %sign3A_1109 = arith.cmpi sgt, %add3A_1105, %sign3A_1108 : i32
    %sign3A_1110 = arith.extui %sign3A_1109 : i1 to i32
    %sign3A_1111 = arith.constant 0 : i32
    %sign3A_1112 = arith.cmpi slt, %add3A_1105, %sign3A_1111 : i32
    %sign3A_1113 = arith.extui %sign3A_1112 : i1 to i32
    %sign3A_1114 = arith.subi %sign3A_1110, %sign3A_1113 : i32
    %sign3A_1115 = arith.constant 0 : i32
    %sign3A_1116 = arith.cmpi sgt, %jit3A_1106, %sign3A_1115 : i32
    %sign3A_1117 = arith.extui %sign3A_1116 : i1 to i32
    %sign3A_1118 = arith.constant 0 : i32
    %sign3A_1119 = arith.cmpi slt, %jit3A_1106, %sign3A_1118 : i32
    %sign3A_1120 = arith.extui %sign3A_1119 : i1 to i32
    %sign3A_1121 = arith.subi %sign3A_1117, %sign3A_1120 : i32
    %ne3A_1122 = arith.cmpi ne, %sign3A_1114, %sign3A_1121 : i32
    %rem3A_1123 = arith.remsi %add3A_1105, %jit3A_1106 : i32
    %ne3A_1124 = arith.constant 0 : i32
    %ne3A_1125 = arith.cmpi ne, %rem3A_1123, %ne3A_1124 : i32
    %and3A_1126 = arith.andi %ne3A_1122, %ne3A_1125 : i1
    %sub3A_1127 = arith.constant 1 : i32
    %sub3A_1128 = arith.subi %div3A_1107, %sub3A_1127 : i32
    %select_n3A_1129 = arith.select %and3A_1126, %sub3A_1128, %div3A_1107 : i32
    %mul3A_1130 = arith.constant 64 : i32
    %mul3A_1131 = arith.muli %select_n3A_1129, %mul3A_1130 : i32
    %add3A_1132 = arith.addi %add3A_1095, %mul3A_1131 : i32
    %swap3A_1133 = arith.constant 30 : index
    %swap3A_1134 = memref.load %arg2[%swap3A_1133] : memref<32xi32, #tpu.memory_space<smem>>
    memref.store %add3A_1132, %arg2[%swap3A_1133] : memref<32xi32, #tpu.memory_space<smem>>
    %slice3A_1135 = vector.extract_strided_slice %convert_element_type3A_28 {offsets = [1920, 0], sizes = [64, 128], strides = [1, 1]} : vector<2048x128xi32> to vector<64x128xi32>
    %reduce_sum3A_1136 = vector.shape_cast %slice3A_1135 : vector<64x128xi32> to vector<1x64x128xi32>
    %reduce_sum3A_1137 = arith.constant dense<0> : vector<1xi32>
    %reduce_sum3A_1138 = vector.multi_reduction <add>, %reduce_sum3A_1136, %reduce_sum3A_1137 [1, 2] : vector<1x64x128xi32> to vector<1xi32>
    %reduce_sum3A_1139 = vector.shape_cast %reduce_sum3A_1138 : vector<1xi32> to vector<1x1x1xi32>
    %reduce_sum3A_1140 = vector.extract %reduce_sum3A_1139[0, 0, 0] : i32 from vector<1x1x1xi32>
    %add3A_1141 = arith.constant 63 : i32
    %add3A_1142 = arith.addi %reduce_sum3A_1140, %add3A_1141 : i32
    %jit3A_1143 = arith.constant 64 : i32
    %div3A_1144 = arith.divsi %add3A_1142, %jit3A_1143 : i32
    %sign3A_1145 = arith.constant 0 : i32
    %sign3A_1146 = arith.cmpi sgt, %add3A_1142, %sign3A_1145 : i32
    %sign3A_1147 = arith.extui %sign3A_1146 : i1 to i32
    %sign3A_1148 = arith.constant 0 : i32
    %sign3A_1149 = arith.cmpi slt, %add3A_1142, %sign3A_1148 : i32
    %sign3A_1150 = arith.extui %sign3A_1149 : i1 to i32
    %sign3A_1151 = arith.subi %sign3A_1147, %sign3A_1150 : i32
    %sign3A_1152 = arith.constant 0 : i32
    %sign3A_1153 = arith.cmpi sgt, %jit3A_1143, %sign3A_1152 : i32
    %sign3A_1154 = arith.extui %sign3A_1153 : i1 to i32
    %sign3A_1155 = arith.constant 0 : i32
    %sign3A_1156 = arith.cmpi slt, %jit3A_1143, %sign3A_1155 : i32
    %sign3A_1157 = arith.extui %sign3A_1156 : i1 to i32
    %sign3A_1158 = arith.subi %sign3A_1154, %sign3A_1157 : i32
    %ne3A_1159 = arith.cmpi ne, %sign3A_1151, %sign3A_1158 : i32
    %rem3A_1160 = arith.remsi %add3A_1142, %jit3A_1143 : i32
    %ne3A_1161 = arith.constant 0 : i32
    %ne3A_1162 = arith.cmpi ne, %rem3A_1160, %ne3A_1161 : i32
    %and3A_1163 = arith.andi %ne3A_1159, %ne3A_1162 : i1
    %sub3A_1164 = arith.constant 1 : i32
    %sub3A_1165 = arith.subi %div3A_1144, %sub3A_1164 : i32
    %select_n3A_1166 = arith.select %and3A_1163, %sub3A_1165, %div3A_1144 : i32
    %mul3A_1167 = arith.constant 64 : i32
    %mul3A_1168 = arith.muli %select_n3A_1166, %mul3A_1167 : i32
    %add3A_1169 = arith.addi %add3A_1132, %mul3A_1168 : i32
    %swap3A_1170 = arith.constant 31 : index
    %swap3A_1171 = memref.load %arg2[%swap3A_1170] : memref<32xi32, #tpu.memory_space<smem>>
    memref.store %add3A_1169, %arg2[%swap3A_1170] : memref<32xi32, #tpu.memory_space<smem>>
    %slice3A_1172 = vector.extract_strided_slice %convert_element_type3A_28 {offsets = [1984, 0], sizes = [64, 128], strides = [1, 1]} : vector<2048x128xi32> to vector<64x128xi32>
    %reduce_sum3A_1173 = vector.shape_cast %slice3A_1172 : vector<64x128xi32> to vector<1x64x128xi32>
    %reduce_sum3A_1174 = arith.constant dense<0> : vector<1xi32>
    %reduce_sum3A_1175 = vector.multi_reduction <add>, %reduce_sum3A_1173, %reduce_sum3A_1174 [1, 2] : vector<1x64x128xi32> to vector<1xi32>
    %reduce_sum3A_1176 = vector.shape_cast %reduce_sum3A_1175 : vector<1xi32> to vector<1x1x1xi32>
    %reduce_sum3A_1177 = vector.extract %reduce_sum3A_1176[0, 0, 0] : i32 from vector<1x1x1xi32>
    %add3A_1178 = arith.constant 63 : i32
    %add3A_1179 = arith.addi %reduce_sum3A_1177, %add3A_1178 : i32
    %jit3A_1180 = arith.constant 64 : i32
    %div3A_1181 = arith.divsi %add3A_1179, %jit3A_1180 : i32
    %sign3A_1182 = arith.constant 0 : i32
    %sign3A_1183 = arith.cmpi sgt, %add3A_1179, %sign3A_1182 : i32
    %sign3A_1184 = arith.extui %sign3A_1183 : i1 to i32
    %sign3A_1185 = arith.constant 0 : i32
    %sign3A_1186 = arith.cmpi slt, %add3A_1179, %sign3A_1185 : i32
    %sign3A_1187 = arith.extui %sign3A_1186 : i1 to i32
    %sign3A_1188 = arith.subi %sign3A_1184, %sign3A_1187 : i32
    %sign3A_1189 = arith.constant 0 : i32
    %sign3A_1190 = arith.cmpi sgt, %jit3A_1180, %sign3A_1189 : i32
    %sign3A_1191 = arith.extui %sign3A_1190 : i1 to i32
    %sign3A_1192 = arith.constant 0 : i32
    %sign3A_1193 = arith.cmpi slt, %jit3A_1180, %sign3A_1192 : i32
    %sign3A_1194 = arith.extui %sign3A_1193 : i1 to i32
    %sign3A_1195 = arith.subi %sign3A_1191, %sign3A_1194 : i32
    %ne3A_1196 = arith.cmpi ne, %sign3A_1188, %sign3A_1195 : i32
    %rem3A_1197 = arith.remsi %add3A_1179, %jit3A_1180 : i32
    %ne3A_1198 = arith.constant 0 : i32
    %ne3A_1199 = arith.cmpi ne, %rem3A_1197, %ne3A_1198 : i32
    %and3A_1200 = arith.andi %ne3A_1196, %ne3A_1199 : i1
    %sub3A_1201 = arith.constant 1 : i32
    %sub3A_1202 = arith.subi %div3A_1181, %sub3A_1201 : i32
    %select_n3A_1203 = arith.select %and3A_1200, %sub3A_1202, %div3A_1181 : i32
    %mul3A_1204 = arith.constant 64 : i32
    %mul3A_1205 = arith.muli %select_n3A_1203, %mul3A_1204 : i32
    %add3A_1206 = arith.addi %add3A_1169, %mul3A_1205 : i32
    %swap3A_1207 = arith.constant 0 : index
    %swap3A_1208 = memref.load %arg1[%swap3A_1207] : memref<16xi32, #tpu.memory_space<smem>>
    memref.store %scan3A_10#0, %arg1[%swap3A_1207] : memref<16xi32, #tpu.memory_space<smem>>
    %swap3A_1209 = arith.constant 1 : index
    %swap3A_1210 = memref.load %arg1[%swap3A_1209] : memref<16xi32, #tpu.memory_space<smem>>
    memref.store %scan3A_24#1, %arg1[%swap3A_1209] : memref<16xi32, #tpu.memory_space<smem>>
    %swap3A_1211 = arith.constant 2 : index
    %swap3A_1212 = memref.load %arg1[%swap3A_1211] : memref<16xi32, #tpu.memory_space<smem>>
    memref.store %add3A_1206, %arg1[%swap3A_1211] : memref<16xi32, #tpu.memory_space<smem>>
    %swap3A_1213 = arith.constant 0 : i32
    %swap3A_1214 = arith.constant 3 : index
    %swap3A_1215 = memref.load %arg1[%swap3A_1214] : memref<16xi32, #tpu.memory_space<smem>>
    memref.store %swap3A_1213, %arg1[%swap3A_1214] : memref<16xi32, #tpu.memory_space<smem>>
    %swap3A_1216 = arith.constant 0 : i32
    %swap3A_1217 = arith.constant 4 : index
    %swap3A_1218 = memref.load %arg1[%swap3A_1217] : memref<16xi32, #tpu.memory_space<smem>>
    memref.store %swap3A_1216, %arg1[%swap3A_1217] : memref<16xi32, #tpu.memory_space<smem>>
    %swap3A_1219 = arith.constant 0 : i32
    %swap3A_1220 = arith.constant 5 : index
    %swap3A_1221 = memref.load %arg1[%swap3A_1220] : memref<16xi32, #tpu.memory_space<smem>>
    memref.store %swap3A_1219, %arg1[%swap3A_1220] : memref<16xi32, #tpu.memory_space<smem>>
    %swap3A_1222 = arith.constant 0 : i32
    %swap3A_1223 = arith.constant 6 : index
    %swap3A_1224 = memref.load %arg1[%swap3A_1223] : memref<16xi32, #tpu.memory_space<smem>>
    memref.store %swap3A_1222, %arg1[%swap3A_1223] : memref<16xi32, #tpu.memory_space<smem>>
    %swap3A_1225 = arith.constant 0 : i32
    %swap3A_1226 = arith.constant 7 : index
    %swap3A_1227 = memref.load %arg1[%swap3A_1226] : memref<16xi32, #tpu.memory_space<smem>>
    memref.store %swap3A_1225, %arg1[%swap3A_1226] : memref<16xi32, #tpu.memory_space<smem>>
    %swap3A_1228 = arith.constant 0 : i32
    %swap3A_1229 = arith.constant 8 : index
    %swap3A_1230 = memref.load %arg1[%swap3A_1229] : memref<16xi32, #tpu.memory_space<smem>>
    memref.store %swap3A_1228, %arg1[%swap3A_1229] : memref<16xi32, #tpu.memory_space<smem>>
    %swap3A_1231 = arith.constant 0 : i32
    %swap3A_1232 = arith.constant 9 : index
    %swap3A_1233 = memref.load %arg1[%swap3A_1232] : memref<16xi32, #tpu.memory_space<smem>>
    memref.store %swap3A_1231, %arg1[%swap3A_1232] : memref<16xi32, #tpu.memory_space<smem>>
    %swap3A_1234 = arith.constant 0 : i32
    %swap3A_1235 = arith.constant 10 : index
    %swap3A_1236 = memref.load %arg1[%swap3A_1235] : memref<16xi32, #tpu.memory_space<smem>>
    memref.store %swap3A_1234, %arg1[%swap3A_1235] : memref<16xi32, #tpu.memory_space<smem>>
    %swap3A_1237 = arith.constant 0 : i32
    %swap3A_1238 = arith.constant 11 : index
    %swap3A_1239 = memref.load %arg1[%swap3A_1238] : memref<16xi32, #tpu.memory_space<smem>>
    memref.store %swap3A_1237, %arg1[%swap3A_1238] : memref<16xi32, #tpu.memory_space<smem>>
    %swap3A_1240 = arith.constant 0 : i32
    %swap3A_1241 = arith.constant 12 : index
    %swap3A_1242 = memref.load %arg1[%swap3A_1241] : memref<16xi32, #tpu.memory_space<smem>>
    memref.store %swap3A_1240, %arg1[%swap3A_1241] : memref<16xi32, #tpu.memory_space<smem>>
    %swap3A_1243 = arith.constant 0 : i32
    %swap3A_1244 = arith.constant 13 : index
    %swap3A_1245 = memref.load %arg1[%swap3A_1244] : memref<16xi32, #tpu.memory_space<smem>>
    memref.store %swap3A_1243, %arg1[%swap3A_1244] : memref<16xi32, #tpu.memory_space<smem>>
    %swap3A_1246 = arith.constant 0 : i32
    %swap3A_1247 = arith.constant 14 : index
    %swap3A_1248 = memref.load %arg1[%swap3A_1247] : memref<16xi32, #tpu.memory_space<smem>>
    memref.store %swap3A_1246, %arg1[%swap3A_1247] : memref<16xi32, #tpu.memory_space<smem>>
    %swap3A_1249 = arith.constant 0 : i32
    %swap3A_1250 = arith.constant 15 : index
    %swap3A_1251 = memref.load %arg1[%swap3A_1250] : memref<16xi32, #tpu.memory_space<smem>>
    memref.store %swap3A_1249, %arg1[%swap3A_1250] : memref<16xi32, #tpu.memory_space<smem>>
    return
  }
}

module attributes {stable_mosaic.version = 14 : i64} {
  func.func @_nms_body(%arg0: memref<64x128xf32, #tpu.memory_space<vmem>>, %arg1: memref<8x64x128xf32, #tpu.memory_space<vmem>>, %arg2: memref<16xi32, #tpu.memory_space<smem>>, %arg3: memref<1024x128xf32, #tpu.memory_space<vmem>>, %arg4: memref<64x128xf32, #tpu.memory_space<vmem>>, %arg5: memref<64x128xf32, #tpu.memory_space<vmem>>, %arg6: memref<64x128xf32, #tpu.memory_space<vmem>>, %arg7: memref<64x128xf32, #tpu.memory_space<vmem>>, %arg8: memref<64x128xf32, #tpu.memory_space<vmem>>, %arg9: memref<64x128xf32, #tpu.memory_space<vmem>>) attributes {dimension_semantics = [], scalar_prefetch = 0 : i64, scratch_operands = 6 : i64, tpu.core_type = #tpu.core_type<tc>} {
    %get3A = arith.constant 2 : index
    %get3A_0 = memref.load %arg2[%get3A] : memref<16xi32, #tpu.memory_space<smem>>
    %iota3A = tpu.iota {dimensions = array<i32: 0>} : vector<64x128xi32>
    %mul3A = arith.constant 128 : i32
    %mul3A_1 = vector.broadcast %mul3A : i32 to vector<64x128xi32>
    %mul3A_2 = arith.muli %iota3A, %mul3A_1 : vector<64x128xi32>
    %iota3A_3 = tpu.iota {dimensions = array<i32: 1>} : vector<64x128xi32>
    %add3A = arith.addi %mul3A_2, %iota3A_3 : vector<64x128xi32>
    %lt3A = vector.broadcast %get3A_0 : i32 to vector<64x128xi32>
    %lt3A_4 = arith.cmpi slt, %add3A, %lt3A : vector<64x128xi32>
    %get3A_5 = arith.constant 0 : index
    %get3A_6 = arith.constant 0 : index
    %get3A_7 = vector.load %arg0[%get3A_5, %get3A_6] : memref<64x128xf32, #tpu.memory_space<vmem>>, vector<64x128xf32>
    %jit3A = arith.constant -1.000000e+30 : f32
    %broadcast_in_dim3A = vector.broadcast %jit3A : f32 to vector<64x128xf32>
    %select_n3A = arith.select %lt3A_4, %get3A_7, %broadcast_in_dim3A : vector<64x128xi1>, vector<64x128xf32>
    %gt3A = arith.constant -1.000000e+29 : f32
    %gt3A_8 = vector.broadcast %gt3A : f32 to vector<64x128xf32>
    %gt3A_9 = arith.cmpf ogt, %select_n3A, %gt3A_8 : vector<64x128xf32>
    %get3A_10 = arith.constant 0 : index
    %get3A_11 = arith.constant 0 : index
    %get3A_12 = arith.constant 0 : index
    %get3A_13 = vector.load %arg1[%get3A_10, %get3A_11, %get3A_12] : memref<8x64x128xf32, #tpu.memory_space<vmem>>, vector<1x64x128xf32>
    %get3A_14 = vector.shape_cast %get3A_13 : vector<1x64x128xf32> to vector<64x128xf32>
    %get3A_15 = arith.constant 1 : index
    %get3A_16 = arith.constant 0 : index
    %get3A_17 = arith.constant 0 : index
    %get3A_18 = vector.load %arg1[%get3A_15, %get3A_16, %get3A_17] : memref<8x64x128xf32, #tpu.memory_space<vmem>>, vector<1x64x128xf32>
    %get3A_19 = vector.shape_cast %get3A_18 : vector<1x64x128xf32> to vector<64x128xf32>
    %get3A_20 = arith.constant 2 : index
    %get3A_21 = arith.constant 0 : index
    %get3A_22 = arith.constant 0 : index
    %get3A_23 = vector.load %arg1[%get3A_20, %get3A_21, %get3A_22] : memref<8x64x128xf32, #tpu.memory_space<vmem>>, vector<1x64x128xf32>
    %get3A_24 = vector.shape_cast %get3A_23 : vector<1x64x128xf32> to vector<64x128xf32>
    %get3A_25 = arith.constant 3 : index
    %get3A_26 = arith.constant 0 : index
    %get3A_27 = arith.constant 0 : index
    %get3A_28 = vector.load %arg1[%get3A_25, %get3A_26, %get3A_27] : memref<8x64x128xf32, #tpu.memory_space<vmem>>, vector<1x64x128xf32>
    %get3A_29 = vector.shape_cast %get3A_28 : vector<1x64x128xf32> to vector<64x128xf32>
    %sub3A = arith.subf %get3A_24, %get3A_14 : vector<64x128xf32>
    %sub3A_30 = arith.subf %get3A_29, %get3A_19 : vector<64x128xf32>
    %mul3A_31 = arith.constant 5.000000e-01 : f32
    %mul3A_32 = vector.broadcast %mul3A_31 : f32 to vector<64x128xf32>
    %mul3A_33 = arith.mulf %mul3A_32, %sub3A : vector<64x128xf32>
    %add3A_34 = arith.addf %get3A_14, %mul3A_33 : vector<64x128xf32>
    %mul3A_35 = arith.constant 5.000000e-01 : f32
    %mul3A_36 = vector.broadcast %mul3A_35 : f32 to vector<64x128xf32>
    %mul3A_37 = arith.mulf %mul3A_36, %sub3A_30 : vector<64x128xf32>
    %add3A_38 = arith.addf %get3A_19, %mul3A_37 : vector<64x128xf32>
    %get3A_39 = arith.constant 4 : index
    %get3A_40 = arith.constant 0 : index
    %get3A_41 = arith.constant 0 : index
    %get3A_42 = vector.load %arg1[%get3A_39, %get3A_40, %get3A_41] : memref<8x64x128xf32, #tpu.memory_space<vmem>>, vector<1x64x128xf32>
    %get3A_43 = vector.shape_cast %get3A_42 : vector<1x64x128xf32> to vector<64x128xf32>
    %mul3A_44 = arith.constant 1.000000e-01 : f32
    %mul3A_45 = vector.broadcast %mul3A_44 : f32 to vector<64x128xf32>
    %mul3A_46 = arith.mulf %get3A_43, %mul3A_45 : vector<64x128xf32>
    %get3A_47 = arith.constant 5 : index
    %get3A_48 = arith.constant 0 : index
    %get3A_49 = arith.constant 0 : index
    %get3A_50 = vector.load %arg1[%get3A_47, %get3A_48, %get3A_49] : memref<8x64x128xf32, #tpu.memory_space<vmem>>, vector<1x64x128xf32>
    %get3A_51 = vector.shape_cast %get3A_50 : vector<1x64x128xf32> to vector<64x128xf32>
    %mul3A_52 = arith.constant 1.000000e-01 : f32
    %mul3A_53 = vector.broadcast %mul3A_52 : f32 to vector<64x128xf32>
    %mul3A_54 = arith.mulf %get3A_51, %mul3A_53 : vector<64x128xf32>
    %get3A_55 = arith.constant 6 : index
    %get3A_56 = arith.constant 0 : index
    %get3A_57 = arith.constant 0 : index
    %get3A_58 = vector.load %arg1[%get3A_55, %get3A_56, %get3A_57] : memref<8x64x128xf32, #tpu.memory_space<vmem>>, vector<1x64x128xf32>
    %get3A_59 = vector.shape_cast %get3A_58 : vector<1x64x128xf32> to vector<64x128xf32>
    %mul3A_60 = arith.constant 2.000000e-01 : f32
    %mul3A_61 = vector.broadcast %mul3A_60 : f32 to vector<64x128xf32>
    %mul3A_62 = arith.mulf %get3A_59, %mul3A_61 : vector<64x128xf32>
    %get3A_63 = arith.constant 7 : index
    %get3A_64 = arith.constant 0 : index
    %get3A_65 = arith.constant 0 : index
    %get3A_66 = vector.load %arg1[%get3A_63, %get3A_64, %get3A_65] : memref<8x64x128xf32, #tpu.memory_space<vmem>>, vector<1x64x128xf32>
    %get3A_67 = vector.shape_cast %get3A_66 : vector<1x64x128xf32> to vector<64x128xf32>
    %mul3A_68 = arith.constant 2.000000e-01 : f32
    %mul3A_69 = vector.broadcast %mul3A_68 : f32 to vector<64x128xf32>
    %mul3A_70 = arith.mulf %get3A_67, %mul3A_69 : vector<64x128xf32>
    %mul3A_71 = arith.mulf %mul3A_46, %sub3A : vector<64x128xf32>
    %add3A_72 = arith.addf %add3A_34, %mul3A_71 : vector<64x128xf32>
    %mul3A_73 = arith.mulf %mul3A_54, %sub3A_30 : vector<64x128xf32>
    %add3A_74 = arith.addf %add3A_38, %mul3A_73 : vector<64x128xf32>
    %exp3A = math.exp %mul3A_62 : vector<64x128xf32>
    %mul3A_75 = arith.mulf %sub3A, %exp3A : vector<64x128xf32>
    %exp3A_76 = math.exp %mul3A_70 : vector<64x128xf32>
    %mul3A_77 = arith.mulf %sub3A_30, %exp3A_76 : vector<64x128xf32>
    %mul3A_78 = arith.constant 5.000000e-01 : f32
    %mul3A_79 = vector.broadcast %mul3A_78 : f32 to vector<64x128xf32>
    %mul3A_80 = arith.mulf %mul3A_79, %mul3A_75 : vector<64x128xf32>
    %sub3A_81 = arith.subf %add3A_72, %mul3A_80 : vector<64x128xf32>
    %jit3A_82 = arith.constant 0.000000e+00 : f32
    %jit3A_83 = arith.constant 1.000000e+00 : f32
    %max3A = vector.broadcast %jit3A_82 : f32 to vector<64x128xf32>
    %max3A_84 = arith.maximumf %max3A, %sub3A_81 : vector<64x128xf32>
    %min3A = vector.broadcast %jit3A_83 : f32 to vector<64x128xf32>
    %min3A_85 = arith.minimumf %min3A, %max3A_84 : vector<64x128xf32>
    %mul3A_86 = arith.constant 5.000000e-01 : f32
    %mul3A_87 = vector.broadcast %mul3A_86 : f32 to vector<64x128xf32>
    %mul3A_88 = arith.mulf %mul3A_87, %mul3A_77 : vector<64x128xf32>
    %sub3A_89 = arith.subf %add3A_74, %mul3A_88 : vector<64x128xf32>
    %jit3A_90 = arith.constant 0.000000e+00 : f32
    %jit3A_91 = arith.constant 1.000000e+00 : f32
    %max3A_92 = vector.broadcast %jit3A_90 : f32 to vector<64x128xf32>
    %max3A_93 = arith.maximumf %max3A_92, %sub3A_89 : vector<64x128xf32>
    %min3A_94 = vector.broadcast %jit3A_91 : f32 to vector<64x128xf32>
    %min3A_95 = arith.minimumf %min3A_94, %max3A_93 : vector<64x128xf32>
    %mul3A_96 = arith.constant 5.000000e-01 : f32
    %mul3A_97 = vector.broadcast %mul3A_96 : f32 to vector<64x128xf32>
    %mul3A_98 = arith.mulf %mul3A_97, %mul3A_75 : vector<64x128xf32>
    %add3A_99 = arith.addf %add3A_72, %mul3A_98 : vector<64x128xf32>
    %jit3A_100 = arith.constant 0.000000e+00 : f32
    %jit3A_101 = arith.constant 1.000000e+00 : f32
    %max3A_102 = vector.broadcast %jit3A_100 : f32 to vector<64x128xf32>
    %max3A_103 = arith.maximumf %max3A_102, %add3A_99 : vector<64x128xf32>
    %min3A_104 = vector.broadcast %jit3A_101 : f32 to vector<64x128xf32>
    %min3A_105 = arith.minimumf %min3A_104, %max3A_103 : vector<64x128xf32>
    %mul3A_106 = arith.constant 5.000000e-01 : f32
    %mul3A_107 = vector.broadcast %mul3A_106 : f32 to vector<64x128xf32>
    %mul3A_108 = arith.mulf %mul3A_107, %mul3A_77 : vector<64x128xf32>
    %add3A_109 = arith.addf %add3A_74, %mul3A_108 : vector<64x128xf32>
    %jit3A_110 = arith.constant 0.000000e+00 : f32
    %jit3A_111 = arith.constant 1.000000e+00 : f32
    %max3A_112 = vector.broadcast %jit3A_110 : f32 to vector<64x128xf32>
    %max3A_113 = arith.maximumf %max3A_112, %add3A_109 : vector<64x128xf32>
    %min3A_114 = vector.broadcast %jit3A_111 : f32 to vector<64x128xf32>
    %min3A_115 = arith.minimumf %min3A_114, %max3A_113 : vector<64x128xf32>
    %jit3A_116 = arith.constant 0.000000e+00 : f32
    %broadcast_in_dim3A_117 = vector.broadcast %jit3A_116 : f32 to vector<64x128xf32>
    %select_n3A_118 = arith.select %gt3A_9, %min3A_85, %broadcast_in_dim3A_117 : vector<64x128xi1>, vector<64x128xf32>
    %jit3A_119 = arith.constant 0.000000e+00 : f32
    %broadcast_in_dim3A_120 = vector.broadcast %jit3A_119 : f32 to vector<64x128xf32>
    %select_n3A_121 = arith.select %gt3A_9, %min3A_95, %broadcast_in_dim3A_120 : vector<64x128xi1>, vector<64x128xf32>
    %jit3A_122 = arith.constant 0.000000e+00 : f32
    %broadcast_in_dim3A_123 = vector.broadcast %jit3A_122 : f32 to vector<64x128xf32>
    %select_n3A_124 = arith.select %gt3A_9, %min3A_105, %broadcast_in_dim3A_123 : vector<64x128xi1>, vector<64x128xf32>
    %jit3A_125 = arith.constant 0.000000e+00 : f32
    %broadcast_in_dim3A_126 = vector.broadcast %jit3A_125 : f32 to vector<64x128xf32>
    %select_n3A_127 = arith.select %gt3A_9, %min3A_115, %broadcast_in_dim3A_126 : vector<64x128xi1>, vector<64x128xf32>
    %swap3A = arith.constant 0 : index
    %swap3A_128 = arith.constant 0 : index
    %swap3A_129 = vector.load %arg4[%swap3A, %swap3A_128] : memref<64x128xf32, #tpu.memory_space<vmem>>, vector<64x128xf32>
    tpu.vector_store %arg4[%swap3A, %swap3A_128], %select_n3A {strides = array<i32>} : memref<64x128xf32, #tpu.memory_space<vmem>>, vector<64x128xf32>,
    %swap3A_130 = arith.constant 0 : index
    %swap3A_131 = arith.constant 0 : index
    %swap3A_132 = vector.load %arg5[%swap3A_130, %swap3A_131] : memref<64x128xf32, #tpu.memory_space<vmem>>, vector<64x128xf32>
    tpu.vector_store %arg5[%swap3A_130, %swap3A_131], %select_n3A_118 {strides = array<i32>} : memref<64x128xf32, #tpu.memory_space<vmem>>, vector<64x128xf32>,
    %swap3A_133 = arith.constant 0 : index
    %swap3A_134 = arith.constant 0 : index
    %swap3A_135 = vector.load %arg6[%swap3A_133, %swap3A_134] : memref<64x128xf32, #tpu.memory_space<vmem>>, vector<64x128xf32>
    tpu.vector_store %arg6[%swap3A_133, %swap3A_134], %select_n3A_121 {strides = array<i32>} : memref<64x128xf32, #tpu.memory_space<vmem>>, vector<64x128xf32>,
    %swap3A_136 = arith.constant 0 : index
    %swap3A_137 = arith.constant 0 : index
    %swap3A_138 = vector.load %arg7[%swap3A_136, %swap3A_137] : memref<64x128xf32, #tpu.memory_space<vmem>>, vector<64x128xf32>
    tpu.vector_store %arg7[%swap3A_136, %swap3A_137], %select_n3A_124 {strides = array<i32>} : memref<64x128xf32, #tpu.memory_space<vmem>>, vector<64x128xf32>,
    %swap3A_139 = arith.constant 0 : index
    %swap3A_140 = arith.constant 0 : index
    %swap3A_141 = vector.load %arg8[%swap3A_139, %swap3A_140] : memref<64x128xf32, #tpu.memory_space<vmem>>, vector<64x128xf32>
    tpu.vector_store %arg8[%swap3A_139, %swap3A_140], %select_n3A_127 {strides = array<i32>} : memref<64x128xf32, #tpu.memory_space<vmem>>, vector<64x128xf32>,
    %sub3A_142 = arith.subf %select_n3A_124, %select_n3A_118 : vector<64x128xf32>
    %sub3A_143 = arith.subf %select_n3A_127, %select_n3A_121 : vector<64x128xf32>
    %mul3A_144 = arith.mulf %sub3A_142, %sub3A_143 : vector<64x128xf32>
    %swap3A_145 = arith.constant 0 : index
    %swap3A_146 = arith.constant 0 : index
    %swap3A_147 = vector.load %arg9[%swap3A_145, %swap3A_146] : memref<64x128xf32, #tpu.memory_space<vmem>>, vector<64x128xf32>
    tpu.vector_store %arg9[%swap3A_145, %swap3A_146], %mul3A_144 {strides = array<i32>} : memref<64x128xf32, #tpu.memory_space<vmem>>, vector<64x128xf32>,
    %iota3A_148 = tpu.iota {dimensions = array<i32: 1>} : vector<1x128xi32>
    %scan3A = arith.constant 0 : i32
    %scan3A_149 = arith.constant 1000 : i32
    %scan3A_150 = arith.addi %scan3A, %scan3A_149 : i32
    %scan3A_151 = arith.constant 1 : i32
    scf.for %scan3A_153 = %scan3A to %scan3A_150 step %scan3A_151  : i32 {
      %get3A_154 = arith.constant 0 : index
      %get3A_155 = arith.constant 0 : index
      %get3A_156 = vector.load %arg4[%get3A_154, %get3A_155] : memref<64x128xf32, #tpu.memory_space<vmem>>, vector<64x128xf32>
      %reduce_max3A = vector.shape_cast %get3A_156 : vector<64x128xf32> to vector<1x64x128xf32>
      %reduce_max3A_157 = arith.constant dense<0xFF800000> : vector<1xf32>
      %reduce_max3A_158 = vector.multi_reduction <maximumf>, %reduce_max3A, %reduce_max3A_157 [1, 2] : vector<1x64x128xf32> to vector<1xf32>
      %reduce_max3A_159 = vector.shape_cast %reduce_max3A_158 : vector<1xf32> to vector<1x1x1xf32>
      %reduce_max3A_160 = vector.extract %reduce_max3A_159[0, 0, 0] : f32 from vector<1x1x1xf32>
      %broadcast_in_dim3A_161 = vector.broadcast %reduce_max3A_160 : f32 to vector<1x1xf32>
      %eq3A = vector.broadcast %broadcast_in_dim3A_161 : vector<1x1xf32> to vector<64x128xf32>
      %eq3A_162 = arith.cmpf oeq, %get3A_156, %eq3A : vector<64x128xf32>
      %jit3A_163 = arith.constant 262144 : i32
      %broadcast_in_dim3A_164 = vector.broadcast %jit3A_163 : i32 to vector<64x128xi32>
      %select_n3A_165 = arith.select %eq3A_162, %add3A, %broadcast_in_dim3A_164 : vector<64x128xi1>, vector<64x128xi32>
      %reduce_min3A = vector.shape_cast %select_n3A_165 : vector<64x128xi32> to vector<1x64x128xi32>
      %reduce_min3A_166 = arith.constant dense<2147483647> : vector<1xi32>
      %reduce_min3A_167 = vector.multi_reduction <minsi>, %reduce_min3A, %reduce_min3A_166 [1, 2] : vector<1x64x128xi32> to vector<1xi32>
      %reduce_min3A_168 = vector.shape_cast %reduce_min3A_167 : vector<1xi32> to vector<1x1x1xi32>
      %reduce_min3A_169 = vector.extract %reduce_min3A_168[0, 0, 0] : i32 from vector<1x1x1xi32>
      %broadcast_in_dim3A_170 = vector.broadcast %reduce_min3A_169 : i32 to vector<1x1xi32>
      %eq3A_171 = vector.broadcast %broadcast_in_dim3A_170 : vector<1x1xi32> to vector<64x128xi32>
      %eq3A_172 = arith.cmpi eq, %add3A, %eq3A_171 : vector<64x128xi32>
      %gt3A_173 = arith.constant -1.000000e+29 : f32
      %gt3A_174 = vector.broadcast %gt3A_173 : f32 to vector<1x1xf32>
      %gt3A_175 = arith.cmpf ogt, %broadcast_in_dim3A_161, %gt3A_174 : vector<1x1xf32>
      %get3A_176 = arith.constant 0 : index
      %get3A_177 = arith.constant 0 : index
      %get3A_178 = vector.load %arg5[%get3A_176, %get3A_177] : memref<64x128xf32, #tpu.memory_space<vmem>>, vector<64x128xf32>
      %jit3A_179 = arith.constant 0.000000e+00 : f32
      %broadcast_in_dim3A_180 = vector.broadcast %jit3A_179 : f32 to vector<64x128xf32>
      %select_n3A_181 = arith.select %eq3A_172, %get3A_178, %broadcast_in_dim3A_180 : vector<64x128xi1>, vector<64x128xf32>
      %reduce_sum3A = vector.shape_cast %select_n3A_181 : vector<64x128xf32> to vector<1x64x128xf32>
      %reduce_sum3A_182 = arith.constant dense<0.000000e+00> : vector<1xf32>
      %reduce_sum3A_183 = vector.multi_reduction <add>, %reduce_sum3A, %reduce_sum3A_182 [1, 2] : vector<1x64x128xf32> to vector<1xf32>
      %reduce_sum3A_184 = vector.shape_cast %reduce_sum3A_183 : vector<1xf32> to vector<1x1x1xf32>
      %reduce_sum3A_185 = vector.extract %reduce_sum3A_184[0, 0, 0] : f32 from vector<1x1x1xf32>
      %broadcast_in_dim3A_186 = vector.broadcast %reduce_sum3A_185 : f32 to vector<1x1xf32>
      %get3A_187 = arith.constant 0 : index
      %get3A_188 = arith.constant 0 : index
      %get3A_189 = vector.load %arg6[%get3A_187, %get3A_188] : memref<64x128xf32, #tpu.memory_space<vmem>>, vector<64x128xf32>
      %jit3A_190 = arith.constant 0.000000e+00 : f32
      %broadcast_in_dim3A_191 = vector.broadcast %jit3A_190 : f32 to vector<64x128xf32>
      %select_n3A_192 = arith.select %eq3A_172, %get3A_189, %broadcast_in_dim3A_191 : vector<64x128xi1>, vector<64x128xf32>
      %reduce_sum3A_193 = vector.shape_cast %select_n3A_192 : vector<64x128xf32> to vector<1x64x128xf32>
      %reduce_sum3A_194 = arith.constant dense<0.000000e+00> : vector<1xf32>
      %reduce_sum3A_195 = vector.multi_reduction <add>, %reduce_sum3A_193, %reduce_sum3A_194 [1, 2] : vector<1x64x128xf32> to vector<1xf32>
      %reduce_sum3A_196 = vector.shape_cast %reduce_sum3A_195 : vector<1xf32> to vector<1x1x1xf32>
      %reduce_sum3A_197 = vector.extract %reduce_sum3A_196[0, 0, 0] : f32 from vector<1x1x1xf32>
      %broadcast_in_dim3A_198 = vector.broadcast %reduce_sum3A_197 : f32 to vector<1x1xf32>
      %get3A_199 = arith.constant 0 : index
      %get3A_200 = arith.constant 0 : index
      %get3A_201 = vector.load %arg7[%get3A_199, %get3A_200] : memref<64x128xf32, #tpu.memory_space<vmem>>, vector<64x128xf32>
      %jit3A_202 = arith.constant 0.000000e+00 : f32
      %broadcast_in_dim3A_203 = vector.broadcast %jit3A_202 : f32 to vector<64x128xf32>
      %select_n3A_204 = arith.select %eq3A_172, %get3A_201, %broadcast_in_dim3A_203 : vector<64x128xi1>, vector<64x128xf32>
      %reduce_sum3A_205 = vector.shape_cast %select_n3A_204 : vector<64x128xf32> to vector<1x64x128xf32>
      %reduce_sum3A_206 = arith.constant dense<0.000000e+00> : vector<1xf32>
      %reduce_sum3A_207 = vector.multi_reduction <add>, %reduce_sum3A_205, %reduce_sum3A_206 [1, 2] : vector<1x64x128xf32> to vector<1xf32>
      %reduce_sum3A_208 = vector.shape_cast %reduce_sum3A_207 : vector<1xf32> to vector<1x1x1xf32>
      %reduce_sum3A_209 = vector.extract %reduce_sum3A_208[0, 0, 0] : f32 from vector<1x1x1xf32>
      %broadcast_in_dim3A_210 = vector.broadcast %reduce_sum3A_209 : f32 to vector<1x1xf32>
      %get3A_211 = arith.constant 0 : index
      %get3A_212 = arith.constant 0 : index
      %get3A_213 = vector.load %arg8[%get3A_211, %get3A_212] : memref<64x128xf32, #tpu.memory_space<vmem>>, vector<64x128xf32>
      %jit3A_214 = arith.constant 0.000000e+00 : f32
      %broadcast_in_dim3A_215 = vector.broadcast %jit3A_214 : f32 to vector<64x128xf32>
      %select_n3A_216 = arith.select %eq3A_172, %get3A_213, %broadcast_in_dim3A_215 : vector<64x128xi1>, vector<64x128xf32>
      %reduce_sum3A_217 = vector.shape_cast %select_n3A_216 : vector<64x128xf32> to vector<1x64x128xf32>
      %reduce_sum3A_218 = arith.constant dense<0.000000e+00> : vector<1xf32>
      %reduce_sum3A_219 = vector.multi_reduction <add>, %reduce_sum3A_217, %reduce_sum3A_218 [1, 2] : vector<1x64x128xf32> to vector<1xf32>
      %reduce_sum3A_220 = vector.shape_cast %reduce_sum3A_219 : vector<1xf32> to vector<1x1x1xf32>
      %reduce_sum3A_221 = vector.extract %reduce_sum3A_220[0, 0, 0] : f32 from vector<1x1x1xf32>
      %broadcast_in_dim3A_222 = vector.broadcast %reduce_sum3A_221 : f32 to vector<1x1xf32>
      %get3A_223 = arith.constant 0 : index
      %get3A_224 = arith.constant 0 : index
      %get3A_225 = vector.load %arg9[%get3A_223, %get3A_224] : memref<64x128xf32, #tpu.memory_space<vmem>>, vector<64x128xf32>
      %jit3A_226 = arith.constant 0.000000e+00 : f32
      %broadcast_in_dim3A_227 = vector.broadcast %jit3A_226 : f32 to vector<64x128xf32>
      %select_n3A_228 = arith.select %eq3A_172, %get3A_225, %broadcast_in_dim3A_227 : vector<64x128xi1>, vector<64x128xf32>
      %reduce_sum3A_229 = vector.shape_cast %select_n3A_228 : vector<64x128xf32> to vector<1x64x128xf32>
      %reduce_sum3A_230 = arith.constant dense<0.000000e+00> : vector<1xf32>
      %reduce_sum3A_231 = vector.multi_reduction <add>, %reduce_sum3A_229, %reduce_sum3A_230 [1, 2] : vector<1x64x128xf32> to vector<1xf32>
      %reduce_sum3A_232 = vector.shape_cast %reduce_sum3A_231 : vector<1xf32> to vector<1x1x1xf32>
      %reduce_sum3A_233 = vector.extract %reduce_sum3A_232[0, 0, 0] : f32 from vector<1x1x1xf32>
      %broadcast_in_dim3A_234 = vector.broadcast %reduce_sum3A_233 : f32 to vector<1x1xf32>
      %get3A_235 = arith.constant 0 : index
      %get3A_236 = arith.constant 0 : index
      %get3A_237 = vector.load %arg5[%get3A_235, %get3A_236] : memref<64x128xf32, #tpu.memory_space<vmem>>, vector<64x128xf32>
      %max3A_238 = vector.broadcast %broadcast_in_dim3A_186 : vector<1x1xf32> to vector<64x128xf32>
      %max3A_239 = arith.maximumf %get3A_237, %max3A_238 : vector<64x128xf32>
      %get3A_240 = arith.constant 0 : index
      %get3A_241 = arith.constant 0 : index
      %get3A_242 = vector.load %arg6[%get3A_240, %get3A_241] : memref<64x128xf32, #tpu.memory_space<vmem>>, vector<64x128xf32>
      %max3A_243 = vector.broadcast %broadcast_in_dim3A_198 : vector<1x1xf32> to vector<64x128xf32>
      %max3A_244 = arith.maximumf %get3A_242, %max3A_243 : vector<64x128xf32>
      %get3A_245 = arith.constant 0 : index
      %get3A_246 = arith.constant 0 : index
      %get3A_247 = vector.load %arg7[%get3A_245, %get3A_246] : memref<64x128xf32, #tpu.memory_space<vmem>>, vector<64x128xf32>
      %min3A_248 = vector.broadcast %broadcast_in_dim3A_210 : vector<1x1xf32> to vector<64x128xf32>
      %min3A_249 = arith.minimumf %get3A_247, %min3A_248 : vector<64x128xf32>
      %get3A_250 = arith.constant 0 : index
      %get3A_251 = arith.constant 0 : index
      %get3A_252 = vector.load %arg8[%get3A_250, %get3A_251] : memref<64x128xf32, #tpu.memory_space<vmem>>, vector<64x128xf32>
      %min3A_253 = vector.broadcast %broadcast_in_dim3A_222 : vector<1x1xf32> to vector<64x128xf32>
      %min3A_254 = arith.minimumf %get3A_252, %min3A_253 : vector<64x128xf32>
      %sub3A_255 = arith.subf %min3A_249, %max3A_239 : vector<64x128xf32>
      %max3A_256 = arith.constant 0.000000e+00 : f32
      %max3A_257 = vector.broadcast %max3A_256 : f32 to vector<64x128xf32>
      %max3A_258 = arith.maximumf %sub3A_255, %max3A_257 : vector<64x128xf32>
      %sub3A_259 = arith.subf %min3A_254, %max3A_244 : vector<64x128xf32>
      %max3A_260 = arith.constant 0.000000e+00 : f32
      %max3A_261 = vector.broadcast %max3A_260 : f32 to vector<64x128xf32>
      %max3A_262 = arith.maximumf %sub3A_259, %max3A_261 : vector<64x128xf32>
      %mul3A_263 = arith.mulf %max3A_258, %max3A_262 : vector<64x128xf32>
      %get3A_264 = arith.constant 0 : index
      %get3A_265 = arith.constant 0 : index
      %get3A_266 = vector.load %arg9[%get3A_264, %get3A_265] : memref<64x128xf32, #tpu.memory_space<vmem>>, vector<64x128xf32>
      %add3A_267 = vector.broadcast %broadcast_in_dim3A_234 : vector<1x1xf32> to vector<64x128xf32>
      %add3A_268 = arith.addf %get3A_266, %add3A_267 : vector<64x128xf32>
      %sub3A_269 = arith.subf %add3A_268, %mul3A_263 : vector<64x128xf32>
      %add3A_270 = arith.constant 9.99999993E-9 : f32
      %add3A_271 = vector.broadcast %add3A_270 : f32 to vector<64x128xf32>
      %add3A_272 = arith.addf %sub3A_269, %add3A_271 : vector<64x128xf32>
      %div3A = arith.divf %mul3A_263, %add3A_272 : vector<64x128xf32>
      %gt3A_273 = arith.constant 0.699999988 : f32
      %gt3A_274 = vector.broadcast %gt3A_273 : f32 to vector<64x128xf32>
      %gt3A_275 = arith.cmpf ogt, %div3A, %gt3A_274 : vector<64x128xf32>
      %or3A = arith.ori %gt3A_275, %eq3A_172 : vector<64x128xi1>
      %jit3A_276 = arith.constant -1.000000e+30 : f32
      %broadcast_in_dim3A_277 = vector.broadcast %jit3A_276 : f32 to vector<64x128xf32>
      %select_n3A_278 = arith.select %or3A, %broadcast_in_dim3A_277, %get3A_156 : vector<64x128xi1>, vector<64x128xf32>
      %swap3A_279 = arith.constant 0 : index
      %swap3A_280 = arith.constant 0 : index
      %swap3A_281 = vector.load %arg4[%swap3A_279, %swap3A_280] : memref<64x128xf32, #tpu.memory_space<vmem>>, vector<64x128xf32>
      tpu.vector_store %arg4[%swap3A_279, %swap3A_280], %select_n3A_278 {strides = array<i32>} : memref<64x128xf32, #tpu.memory_space<vmem>>, vector<64x128xf32>,
      %eq3A_282 = arith.constant 0 : i32
      %eq3A_283 = vector.broadcast %eq3A_282 : i32 to vector<1x128xi32>
      %eq3A_284 = arith.cmpi eq, %iota3A_148, %eq3A_283 : vector<1x128xi32>
      %jit3A_285 = arith.constant 0.000000e+00 : f32
      %broadcast_in_dim3A_286 = vector.shape_cast %broadcast_in_dim3A_186 : vector<1x1xf32> to vector<1x1xf32>
      %broadcast_in_dim3A_287 = vector.broadcast %broadcast_in_dim3A_286 : vector<1x1xf32> to vector<1x128xf32>
      %broadcast_in_dim3A_288 = vector.broadcast %jit3A_285 : f32 to vector<1x128xf32>
      %select_n3A_289 = arith.select %eq3A_284, %broadcast_in_dim3A_287, %broadcast_in_dim3A_288 : vector<1x128xi1>, vector<1x128xf32>
      %eq3A_290 = arith.constant 1 : i32
      %eq3A_291 = vector.broadcast %eq3A_290 : i32 to vector<1x128xi32>
      %eq3A_292 = arith.cmpi eq, %iota3A_148, %eq3A_291 : vector<1x128xi32>
      %jit3A_293 = arith.constant 0.000000e+00 : f32
      %broadcast_in_dim3A_294 = vector.shape_cast %broadcast_in_dim3A_198 : vector<1x1xf32> to vector<1x1xf32>
      %broadcast_in_dim3A_295 = vector.broadcast %broadcast_in_dim3A_294 : vector<1x1xf32> to vector<1x128xf32>
      %broadcast_in_dim3A_296 = vector.broadcast %jit3A_293 : f32 to vector<1x128xf32>
      %select_n3A_297 = arith.select %eq3A_292, %broadcast_in_dim3A_295, %broadcast_in_dim3A_296 : vector<1x128xi1>, vector<1x128xf32>
      %add3A_298 = arith.addf %select_n3A_289, %select_n3A_297 : vector<1x128xf32>
      %eq3A_299 = arith.constant 2 : i32
      %eq3A_300 = vector.broadcast %eq3A_299 : i32 to vector<1x128xi32>
      %eq3A_301 = arith.cmpi eq, %iota3A_148, %eq3A_300 : vector<1x128xi32>
      %jit3A_302 = arith.constant 0.000000e+00 : f32
      %broadcast_in_dim3A_303 = vector.shape_cast %broadcast_in_dim3A_210 : vector<1x1xf32> to vector<1x1xf32>
      %broadcast_in_dim3A_304 = vector.broadcast %broadcast_in_dim3A_303 : vector<1x1xf32> to vector<1x128xf32>
      %broadcast_in_dim3A_305 = vector.broadcast %jit3A_302 : f32 to vector<1x128xf32>
      %select_n3A_306 = arith.select %eq3A_301, %broadcast_in_dim3A_304, %broadcast_in_dim3A_305 : vector<1x128xi1>, vector<1x128xf32>
      %add3A_307 = arith.addf %add3A_298, %select_n3A_306 : vector<1x128xf32>
      %eq3A_308 = arith.constant 3 : i32
      %eq3A_309 = vector.broadcast %eq3A_308 : i32 to vector<1x128xi32>
      %eq3A_310 = arith.cmpi eq, %iota3A_148, %eq3A_309 : vector<1x128xi32>
      %jit3A_311 = arith.constant 0.000000e+00 : f32
      %broadcast_in_dim3A_312 = vector.shape_cast %broadcast_in_dim3A_222 : vector<1x1xf32> to vector<1x1xf32>
      %broadcast_in_dim3A_313 = vector.broadcast %broadcast_in_dim3A_312 : vector<1x1xf32> to vector<1x128xf32>
      %broadcast_in_dim3A_314 = vector.broadcast %jit3A_311 : f32 to vector<1x128xf32>
      %select_n3A_315 = arith.select %eq3A_310, %broadcast_in_dim3A_313, %broadcast_in_dim3A_314 : vector<1x128xi1>, vector<1x128xf32>
      %add3A_316 = arith.addf %add3A_307, %select_n3A_315 : vector<1x128xf32>
      %jit3A_317 = arith.constant 0.000000e+00 : f32
      %broadcast_in_dim3A_318 = vector.shape_cast %gt3A_175 : vector<1x1xi1> to vector<1x1xi1>
      %broadcast_in_dim3A_319 = vector.broadcast %broadcast_in_dim3A_318 : vector<1x1xi1> to vector<1x128xi1>
      %broadcast_in_dim3A_320 = vector.broadcast %jit3A_317 : f32 to vector<1x128xf32>
      %select_n3A_321 = arith.select %broadcast_in_dim3A_319, %add3A_316, %broadcast_in_dim3A_320 : vector<1x128xi1>, vector<1x128xf32>
      %swap3A_322 = arith.index_cast %scan3A_153 : i32 to index
      %swap3A_323 = arith.constant 0 : index
      %swap3A_324 = vector.load %arg3[%swap3A_322, %swap3A_323] : memref<1024x128xf32, #tpu.memory_space<vmem>>, vector<1x128xf32>
      tpu.vector_store %arg3[%swap3A_322, %swap3A_323], %select_n3A_321 {strides = array<i32>} : memref<1024x128xf32, #tpu.memory_space<vmem>>, vector<1x128xf32>,
    }
    %scan3A_152 = arith.constant 1000 : i32
    return
  }
}

</mosaic_0001>

<sc_bundles>
// kernel: kernel.5.cloned.1.call-start
scs
__scs_entry_jumppad:
0x0: {  	(pc) =	sbr.rel $0x88, $3  }
0x1: {  	(tag) =	ssettag $0x0;
	lr =	simm.s32 $0x1  }
0x2: {  	[smem:$0x3F9E] =	sst lr;
	_ =	strace $0xD0000000  }
0x3: {  	_ = 	snop  }
0x4: {  	_ = 	snop  }
0x5: {  	_ = 	snop  }
0x6: {  	_ = 	snop  }
0x7: {  	_ = 	snop  }
__scs_overlays_trampoline_lowered:
0x8: {  	[smem:$0x3FAD] =	sst s0  }
0x9: {  	[smem:$0x3FAE] =	sst s1  }
0xa: {  	[smem:$0x3FAF] =	sst s2  }
0xb: {  	[smem:$0x3FB0] =	sst s3  }
0xc: {  	[smem:$0x3FB1] =	sst s4  }
0xd: {  	[smem:$0x3FB2] =	sst s5  }
0xe: {  	[smem:$0x3FB3] =	sst s6  }
0xf: {  	[smem:$0x3FB4] =	sst s7  }
0x10: {  	[smem:$0x3FB5] =	sst s8  }
0x11: {  	[smem:$0x3FB6] =	sst s9;
	s0 =	simm.s32 @!p0 $0x0  }
0x12: {  	s1 =	sld [smem:$0x3F9C];
	s0 =	simm.s32 @p0 $0x1  }
0x13: {  	[smem:$0x3FB7] =	sst s0;
	s0 =	simm.s32 @!p1 $0x0  }
0x14: {  	s2 =	sld [smem:$0x3F9B];
	s0 =	simm.s32 @p1 $0x1  }
0x15: {  	[smem:$0x3FB8] =	sst s0;
	s0 =	simm.s32 @!p2 $0x0  }
0x16: {  	s3 =	sld [smem:$0x3FDB];
	s0 =	simm.s32 @p2 $0x1  }
0x17: {  	s4 =	simm.s32 $0x1BF5;
	[smem:$0x3FBA] =	sst s0  }
0x18: {  	s0 =	sld [smem:$0x3F9D];
	_ =	swait.ge [sflag:s4], $0x0  }
0x19: {  	s7 =	sld [smem:$0x3F9E]  }
0x1a: {  	s8 =	sadd.s32 $0xFFFFE003, lr  }
0x1b: {  	s9 =	sadd.s32 $0xFFFFFEF7, lr;
	s5 =	simm.s32 $0xFFFFFFFF;
	p2 =	slt.u32 s8, $0xFFFFF086  }
0x1c: {  	p1 =	slt.u32 s9, $0xF7A;
	s5 =	simm.s32 @!p2 $0x0  }
0x1d: {  	s5 =	simm.s32 @p1 $0x1;
	p0 =	seq.s32 s7, s2  }
0x1e: {  	s7 =	smul.u32 @!p0 $0xF7A, s2;
	p2 =	seq.s32 @!p0 s5, $0x0  }
0x1f: {  	s9 =	smul.u32 $0xF7A, s1;
	s8 =	simm.s32 @!p0 $0x1BF5;
	p2 =	por !p2, p0  }
0x20: {  	[sflag:s8] =	ssyncset.s32 @!p0 $0xFFFFF086;
	s6 =	sadd.s32 @!p0 s3, s7;
	s7 =	simm.s32 @!p0 $0x108  }
0x21: {  	s3 =	sadd.s32 s3, s9;
	s6 =	sadd.s32 @!p0 $0x88, s6;
	s7 =	simm.s32 @p2 $0x1082  }
0x22: {  	[simem:s7], [sflag:s8] =	dma.local @!p0 [hbm:s6], $0xF7A  }
0x23: {  	s9 =	sor.u32 $0xD0000000, s2;
	s6 =	simm.s32 $0x108;
	_ =	swait.ge @!p0 [sflag:s8], $0x0  }
0x24: {  	s3 =	sadd.s32 $0x88, s3;
	s6 =	simm.s32 @!p1 $0x1082;
	[sflag:s4] =	ssyncset.s32 $0xFFFFF086  }
0x25: {  	[simem:s6], [sflag:s4] =	dma.local [hbm:s3], $0xF7A  }
0x26: {  	[smem:$0x3F9E] =	sst s1;
	(tag) =	ssettag s2;
	_ =	strace s9  }
0x27: {  	s1 =	sld [smem:$0x3FAE]  }
0x28: {  	s2 =	sld [smem:$0x3FAF]  }
0x29: {  	s4 =	sld [smem:$0x3FB1]  }
0x2a: {  	p0 =	seq.s32 s5, $0x0;
	s5 =	sld [smem:$0x3FB2]  }
0x2b: {  	s6 =	sld [smem:$0x3FB3]  }
0x2c: {  	s7 =	sld [smem:$0x3FB4]  }
0x2d: {  	s3 =	simm.s32 $0x108;
	s8 =	sld [smem:$0x3FB5]  }
0x2e: {  	s3 =	simm.s32 @!p0 $0x1082;
	s9 =	sld [smem:$0x3FB6]  }
0x2f: {  	lr =	sadd.s32 s0, s3;
	s0 =	sld [smem:$0x3FAD]  }
0x30: {  	s3 =	sld [smem:$0x3FB0]  }
0x31: {  	[smem:$0x3FB9] =	sst s10  }
0x32: {  	s10 =	sld [smem:$0x3FB7];
	_ =	sdelay $0x3  }
0x33: {  	p0 =	seq.s32 s10, $0x1;
	s10 =	sld [smem:$0x3FB9];
	_ =	sdelay $0x3  }
0x34: {  	[smem:$0x3FB9] =	sst s10  }
0x35: {  	s10 =	sld [smem:$0x3FB8];
	_ =	sdelay $0x3  }
0x36: {  	p1 =	seq.s32 s10, $0x1;
	s10 =	sld [smem:$0x3FB9];
	_ =	sdelay $0x3  }
0x37: {  	[smem:$0x3FB9] =	sst s10  }
0x38: {  	s10 =	sld [smem:$0x3FBA]  }
0x39: {  	_ = 	snop;
	(pc) =	sbr.ind lr, $3  }
0x3a: {  	_ = 	snop  }
0x3b: {  	_ = 	snop  }
0x3c: {  	p2 =	seq.s32 s10, $0x1;
	s10 =	sld [smem:$0x3FB9]  }
0x3d: {  	_ =	shalt  }
0x3e: {  	_ =	shalt  }
0x3f: {  	_ =	shalt  }
0x40: {  	_ =	shalt  }
0x41: {  	_ =	shalt  }
0x42: {  	_ =	shalt  }
0x43: {  	_ =	shalt  }
0x44: {  	_ =	shalt  }
0x45: {  	_ =	shalt  }
0x46: {  	_ =	shalt  }
0x47: {  	_ =	shalt  }
0x48: {  	_ =	shalt  }
0x49: {  	_ =	shalt  }
0x4a: {  	_ =	shalt  }
0x4b: {  	_ =	shalt  }
0x4c: {  	_ =	shalt  }
0x4d: {  	_ =	shalt  }
0x4e: {  	_ =	shalt  }
0x4f: {  	_ =	shalt  }
0x50: {  	_ =	shalt  }
0x51: {  	_ =	shalt  }
0x52: {  	_ =	shalt  }
0x53: {  	_ =	shalt  }
0x54: {  	_ =	shalt  }
0x55: {  	_ =	shalt  }
0x56: {  	_ =	shalt  }
0x57: {  	_ =	shalt  }
0x58: {  	_ =	shalt  }
0x59: {  	_ =	shalt  }
0x5a: {  	_ =	shalt  }
0x5b: {  	_ =	shalt  }
0x5c: {  	_ =	shalt  }
0x5d: {  	_ =	shalt  }
0x5e: {  	_ =	shalt  }
0x5f: {  	_ =	shalt  }
0x60: {  	_ =	shalt  }
0x61: {  	_ =	shalt  }
0x62: {  	_ =	shalt  }
0x63: {  	_ =	shalt  }
0x64: {  	_ =	shalt  }
0x65: {  	_ =	shalt  }
0x66: {  	_ =	shalt  }
0x67: {  	_ =	shalt  }
0x68: {  	_ =	shalt  }
0x69: {  	_ =	shalt  }
0x6a: {  	_ =	shalt  }
0x6b: {  	_ =	shalt  }
0x6c: {  	_ =	shalt  }
0x6d: {  	_ =	shalt  }
0x6e: {  	_ =	shalt  }
0x6f: {  	_ =	shalt  }
0x70: {  	_ =	shalt  }
0x71: {  	_ =	shalt  }
0x72: {  	_ =	shalt  }
0x73: {  	_ =	shalt  }
0x74: {  	_ =	shalt  }
0x75: {  	_ =	shalt  }
0x76: {  	_ =	shalt  }
0x77: {  	_ =	shalt  }
0x78: {  	_ =	shalt  }
0x79: {  	_ =	shalt  }
0x7a: {  	_ =	shalt  }
0x7b: {  	_ =	shalt  }
0x7c: {  	_ =	shalt  }
0x7d: {  	_ =	shalt  }
0x7e: {  	_ =	shalt  }
0x7f: {  	_ =	shalt  }
0x80: {  	_ =	shalt  }
0x81: {  	_ =	shalt  }
0x82: {  	_ =	shalt  }
0x83: {  	_ =	shalt  }
0x84: {  	_ =	shalt  }
0x85: {  	_ =	shalt  }
0x86: {  	_ =	shalt  }
0x87: {  	_ =	shalt  }
.Lfunc_end0:
.L_simem_size_0:
called_computation_lowered:
.L_overlay_start_0:
0x88: {  	s2 =	sld [smem:$0x3FD9]  }
0x89: {  	s3 =	sld [smem:$0x3FFE];
	_ =	sdelay $0x1  }
0x8a: {  	s1 =	srdreg.scid  }
0x8b: {  	s0 =	sand.u32 $0x1, s1  }
0x8c: {  	s17 =	sshll.u32 s0, $0xA;
	s2 =	sadd.s32 s3, s2  }
0x8d: {  	s2 =	sadd.s32 s2, s17  }
0x8e: {  	[smem:$0x3FC5] =	sst s2  }
0x8f: {  	_ = 	snop  }
0x90: {  	s2 =	sld [smem:$0x3FD0];
	(tm) =	ssettm $0x1  }
0x91: {  	s18 =	sld [smem:$0x3FFB];
	_ =	sdelay $0x3  }
0x92: {  	_ =	strace s18  }
0x93: {  	s3 =	sld [smem:$0x3FFC];
	_ =	sdelay $0x3  }
0x94: {  	_ =	strace s3  }
0x95: {  	s3 =	sld [smem:$0x3FFD];
	_ =	sdelay $0x3  }
0x96: {  	_ =	strace s3  }
0x97: {  	_ =	strace $0x8FFFFFFF  }
0x98: {  	s19 =	sld [smem:$0x3FDB];
	_ =	sdelay $0x1  }
0x99: {  	s4 =	simm.s32 $_scs_section_size  }
0x9a: {  	s5 =	simm.s32 $_size__tile_overlayer_lowered;
	s6 =	simm.s32 $_tile_overlayer_lowered  }
0x9b: {  	s22 =	simm.s32 $0x1BFF;
	s21 =	sshll.u32 s6, $0x1;
	s3 =	sadd.s32 s4, s19  }
0x9c: {  	s7 =	simm.s32 $0x0;
	s20 =	sshll.u32 s5, $0x1;
	s5 =	sadd.s32 s21, s3  }
0x9d: {  	[timem:s7], [sflag:s22] =	dma.local [hbm:s5], s20  }
0x9e: {  	_ =	swait.ge [sflag:s22], s20  }
0x9f: {  	s4 =	ssub.s32 $0x0, s20;
	[sflag:s22] =	ssyncset.done $0x0  }
0xa0: {  	[sflag:s22] =	ssyncadd.s32 s4;
	_ =	sdelay $0x1  }
0xa1: {  	s23 =	simm.s32 $0x1B8B  }
0xa2: {  	_ =	swait.ge [sflag:s23], $0x1  }
0xa3: {  	[sflag:s23] =	ssyncset.done $0x0  }
0xa4: {  	s25 =	simm.s32 $0x1B8E;
	s24 =	sld [smem:$0x3FFE];
	[sflag:s23] =	ssyncadd.s32 $0xFFFFFFFF  }
0xa5: {  	s26 =	simm.s32 $execute0_lowered;
	[smem:$0x3FD2] =	sst s25  }
0xa6: {  	s5 =	sshll.u32 s26, $0x1;
	_ =	strace $0x80000046;
	[dreg:$0x1] =	wrdreg $0xFFFFFFFF  }
0xa7: {  	s28 =	simm.s32 $_size_execute0_lowered;
	s3 =	sadd.s32 s3, s5;
	[dreg:$0x0] =	wrdreg $0x0  }
0xa8: {  	s5 =	sshll.u32 s28, $0x1;
	[dreg:$0x2] =	wrdreg s3  }
0xa9: {  	[dreg:$0x3] =	wrdreg s5  }
0xaa: {  	[dreg:$0x4] =	wrdreg $0xC0  }
0xab: {  	_ =	task [dreg:s7], $0x5FFFF  }
0xac: {  	[dreg:$0x1] =	wrdreg $0xFFFFFFFF  }
0xad: {  	[dreg:$0x0] =	wrdreg $0x60  }
0xae: {  	[dreg:$0x2] =	wrdreg s24  }
0xaf: {  	[dreg:$0x3] =	wrdreg s2  }
0xb0: {  	[dreg:$0x4] =	wrdreg $0x9  }
0xb1: {  	_ =	task.clear_ibuf [dreg:s7], $0x5FFFF;
	_ =	strace $0x90000046  }
0xb2: {  	s29 =	simm.s32 $0x9;
	_ =	strace $0x80000048  }
0xb3: {  	_ =	swait.ge [sflag:s29], $0x1  }
0xb4: {  	[sflag:s29] =	ssyncadd.s32 $0xFFFFFFFF  }
0xb5: {  	_ =	strace $0x90000048  }
0xb6: {  	_ =	sfence  }
0xb7: {  	s30 =	sld [smem:$0x0];
	_ =	sdelay $0x2  }
0xb8: {  	s31 =	sshll.u32 s1, $0xD;
	s1 =	sshrl.u32 s1, $0x2  }
0xb9: {  	s3 =	sand.u32 $0x4000, s31;
	s1 =	sadd.s32 s1, s30  }
0xba: {  	s0 =	sor.u32 s3, s0;
	s1 =	sshll.u32 s1, $0x11  }
0xbb: {  	s0 =	sor.u32 s1, s0  }
0xbc: {  	s0 =	sadd.s32 $0x8F2B, s0  }
0xbd: {  	[sflag:s0] =	ssyncadd.remote.s32 $0x1  }
0xbe: {  	_ =	sfence.sel $0xFFFF  }
0xbf: {  	[dreg:$0x0] =	wrdreg $0xFFFFFFFF;
	(pc) =	sbr.abs _section_cstart, $3  }
0xc0: {  	[dreg:$0x1] =	wrdreg $0xFFFFFFFF  }
0xc1: {  	_ =	task.clear_ibuf [dreg:s7], $0x2FFFF;
	_ =	strace $0x9FFFFFFF  }
0xc2: {  	(tm) =	ssettm $0x7FFFFFFF  }
0xc3: {  	_ =	shalt  }
tec
execute0_lowered:
.L_overlay_start_1:
0x0: {  	(tag) =	ssettag $0x1  }
0x1: {  	s7 =	rddreg [dreg:$0x0]  }
0x2: {  	s1 =	srdreg.scid;
	s0 =	stileid.u32  }
0x3: {  	s2 =	rddreg [dreg:$0x1];
	s3 =	simm.s32 $0x0;
	s15 =	simm.s32 $0x40  }
0x4: {  	s16 =	simm.s32 $0x6080;
	s17 =	simm.s32 $0x60C0;
	s18 =	simm.s32 $0x0  }
0x5: {  	s9 =	sand.u32 $0x1, s1;
	s4 =	sshll.u32 s0, $0x1;
	s1 =	rddreg [dreg:$0x2]  }
0x6: {  	[smem:$0x7FF] =	sst s3;
	s5 =	sadd.s32 $0x9200, s7;
	s6 =	sadd.s32 $0x8D400, s7  }
0x7: {  	s31 =	sshll.u32 s0, $0xE;
	p0 =	slt.u32 s0, $0x8;
	s11 =	sor.u32 s9, s4  }
0x8: {  	_ =	strace $0x80000047;
	s10 =	ssub.s32 $0x2, s9;
	s13 =	sshll.u32 s9, $0xD  }
.Ltmp0:
0x9: {  	s4 =	sshll.u32 s11, $0xA;
	s12 =	sshrl.u32 s10, $0x1;
	(pc) =	sbr.rel .LBB2_1-.Ltmp0, $4  }
0xa: {  	s14 =	sadd.s32 $0xFFFFFFF0, s11;
	v2 =	vmov s11;
	s11 =	simm.s32 $0x2;
	s8 =	sadd.s32 s4, s7  }
0xb: {  	vm0 =	vmmov $0x1;
	vm1 =	vcmask $0x308;
	s4 =	sadd.s32 $0x9400, s7;
	s7 =	sadd.s32 $0x89400, s7;
	s10 =	ssub.s32 s10, s12  }
0xc: {  	v0 =	vlaneseq.u32;
	v1 =	vimm.s32 $0x0;
	v3 =	vmov s14;
	s12 =	simm.s32 $0x64C0;
	s14 =	simm.s32 $0x1;
	s8 =	sadd.s32 $0x1200, s8  }
0xd: {  	vm3 =	veq.s32 v2, v0;
	v2 =	vimm.f32 $-1.000000020e+30;
	s9 =	smax.u32 s10, $0x1;
	s10 =	sor.u32 s13, s31;
	s13 =	simm.s32 $0x64D0;
	vm2 =	veq.s32 v3, v0  }
.LBB2_5:
0xe: {  	s24 =	simm.s32 $0x4040  }
.LBB2_9:
0xf: {  	s22 =	sadd.s32 @p1 $0x40, s24  }
0x10: {  	s23 =	sadd.s32 s6, s25;
	[sflag:s11] =	ssyncadd.s32 @p1 $0xFFFFFC00;
	s20 =	smov.u32 @p1 s22  }
0x11: {  	[hbm4b:s23+s3] =	stream.linear.scatter [tilespmem:s20], [sflag:$0x2], $0x40, $0x38;
	[tilespmem:$0x64F0] =	vst v63  }
0x12: {  	_ =	swait.ge [sflag:s11], $0x40  }
0x13: {  	[sflag:s11] =	ssyncset.done $0x0  }
0x14: {  	[sflag:s11] =	ssyncadd.s32 $0xFFFFFFC0  }
0x15: {  	v3 =	vld [tilespmem:s21+$0xFFFFFFE0];
	_ =	sdelay $0x4  }
0x16: {  	[tilespmem:$0x6080] =	vst v3  }
0x17: {  	v3 =	vld [tilespmem:s21+$0xFFFFFFF0];
	_ =	sdelay $0x4  }
0x18: {  	[tilespmem:$0x6090] =	vst v3  }
0x19: {  	v3 =	vld [tilespmem:s21+$0x0];
	_ =	sdelay $0x4  }
0x1a: {  	[tilespmem:$0x60A0] =	vst v3  }
0x1b: {  	v3 =	vld [tilespmem:s21+$0x10];
	_ =	sdelay $0x4  }
0x1c: {  	[tilespmem:$0x60B0] =	vst v3  }
0x1d: {  	[tilespmem:s17], [sflag:$0x1] =	stream.indirect.gather [hbm4b:s4+s15], $0x10, s16, s15, $0xb8;
	[tilespmem:$0x64F0] =	vst v63  }
0x1e: {  	_ =	swait.ge [sflag:s14], $0x400  }
0x1f: {  	s19 =	sand.u32 $0x1FFFFF80, s19;
	[sflag:s14] =	ssyncset.done $0x0  }
0x20: {  	s19 =	sadd.s32 s7, s19;
	[sflag:s14] =	ssyncadd.s32 $0xFFFFFC00  }
0x21: {  	[hbm4b:s19+s3] =	stream.linear.scatter [tilespmem:s17], [sflag:$0x2], $0x400, $0x38;
	[tilespmem:$0x64F0] =	vst v63  }
0x22: {  	_ =	swait.ge [sflag:s11], $0x400  }
0x23: {  	[sflag:s11] =	ssyncset.done $0x0  }
0x24: {  	[sflag:s11] =	ssyncadd.s32 $0xFFFFFC00  }
.LBB2_10:
0x25: {  	s18 =	sadd.s32 $0x1, s18  }
0x26: {  	p1 =	sne.s32 s18, s9  }
.Ltmp1:
0x27: {  	_ = 	snop;
	(pc) =	sbr.rel @!p1 .LBB2_11-.Ltmp1, $1  }
0x28: {  	_ =	sdelay $0x3  }
.LBB2_1:
0x29: {  	[tilespmem:s3], [sflag:$0x2] =	stream.linear.gather [hbm4b:s8+s3], $0x2000, $0x38;
	[tilespmem:$0x64F0] =	vst v63  }
0x2a: {  	_ =	swait.ge [sflag:s11], $0x2000  }
0x2b: {  	[sflag:s11] =	ssyncset.done $0x0  }
0x2c: {  	[sflag:s11] =	ssyncadd.s32 $0xFFFFE000  }
0x2d: {  	[tilespmem:s12], [sflag:$0x2] =	stream.linear.gather [hbm4b:s2+s3], $0x10, $0x38;
	[tilespmem:$0x64F0] =	vst v63  }
0x2e: {  	_ =	swait.ge [sflag:s11], $0x10  }
0x2f: {  	[sflag:s11] =	ssyncset.done $0x0  }
0x30: {  	[sflag:s11] =	ssyncadd.s32 $0xFFFFFFF0  }
0x31: {  	[tilespmem:s13], [sflag:$0x2] =	stream.linear.gather [hbm4b:s5+s3], $0x20, $0x38;
	[tilespmem:$0x64F0] =	vst v63  }
0x32: {  	_ =	swait.ge [sflag:s11], $0x20  }
0x33: {  	[sflag:s11] =	ssyncset.done $0x0  }
0x34: {  	[sflag:s11] =	ssyncadd.s32 $0xFFFFFFE0  }
0x35: {  	v3 =	vld [tilespmem:$0x64C0];
	_ =	sdelay $0x4  }
0x36: {  	v4 =	vnsel vm0, $0x0, v3  }
0x37: {  	v3 =	vsel vm1, $0x0, v3;
	(xrf0) =	vadd.scan.msk.s32 $0xffff, v4  }
0x38: {  	(xrf0) =	vadd.scan.msk.s32 $0xffff, v3;
	_ =	sdelay $0x2  }
0x39: {  	s19 =	simm.s32 $0x0  }
0x3a: {  	v7 =	vld [tilespmem:s19+$0x0]  }
0x3b: {  	v3, _, _ =	vpop (xrf0)  }
0x3c: {  	v4, _, _ =	vpop (xrf0)  }
0x3d: {  	v3 =	vbroadcast v3, $0xF;
	v5 =	vbroadcast v4, $0xF  }
0x3e: {  	v8 =	vor.u32 s10, v0  }
0x3f: {  	vm4 =	veq.s32 v3, v7;
	vm5 =	vle.s32 v8, v5  }
0x40: {  	vm6 =	vlt.s32 v3, v7;
	vm4 =	vmand vm5, vm4  }
0x41: {  	vm4 =	vmor vm6, vm4  }
0x42: {  	v4 =	vsel vm4, $0x1, v1  }
0x43: {  	(xrf0) =	vadd.scan.msk.s32 $0xffff, v4;
	_ =	sdelay $0x4  }
0x44: {  	v6 =	vld [tilespmem:$0x64D0]  }
0x45: {  	v4 =	vld [tilespmem:$0x64E0];
	[tilespmem:s3+$0x2000] =	vst.msk vm4, v8;
	v8, _, _ =	vpop (xrf0)  }
0x46: {  	s22 =	simm.s32 $0x10;
	(v2sf) =	vpush v8, $0xF  }
0x47: {  	s21 =	simm.s32 $0x80;
	s20 =	smov.u32 s10;
	s19 =	simm.s32 $0x0;
	[tilespmem:s3+$0x4040] =	vst.msk vm4, v7  }
.LBB2_2:
0x48: {  	p1 =	sne.s32 s21, $0x7FC0;
	v7 =	vld [tilespmem:s22+$0x0];
	_ =	sdelay $0x2  }
0x49: {  	s20 =	sadd.s32 $0x10, s20  }
0x4a: {  	v8 =	vor.u32 s20, v0  }
0x4b: {  	vm5 =	vle.s32 v8, v5;
	vm4 =	veq.s32 v3, v7  }
0x4c: {  	vm6 =	vlt.s32 v3, v7;
	vm4 =	vmand vm5, vm4  }
0x4d: {  	vm4 =	vmor vm6, vm4  }
0x4e: {  	v9 =	vsel vm4, $0x1, v1  }
0x4f: {  	(xrf0) =	vadd.scan.msk.s32 $0xffff, v9;
	_ =	sdelay $0x3  }
.Ltmp2:
0x50: {  	s22 =	spop (v2sf);
	(pc) =	sbr.rel @p1 .LBB2_2-.Ltmp2, $4  }
0x51: {  	s19 =	sadd.s32 s19, s22  }
0x52: {  	[tilespmem:s19+$0x2000] =	vst.msk vm4, v8;
	v8, _, _ =	vpop (xrf0)  }
0x53: {  	[tilespmem:s19+$0x4040] =	vst.msk vm4, v7;
	(v2sf) =	vpush v8, $0xF  }
0x54: {  	s22 =	sshra.s32 s21, $0x2;
	s21 =	sadd.s32 $0x40, s21  }
0x55: {  	v7 =	vld [tilespmem:s22+$0x0];
	_ =	sdelay $0x2  }
0x56: {  	s20 =	sadd.s32 $0x10, s20  }
0x57: {  	v8 =	vor.u32 s20, v0  }
0x58: {  	vm5 =	vle.s32 v8, v5;
	vm4 =	veq.s32 v3, v7  }
0x59: {  	vm6 =	vlt.s32 v3, v7;
	vm4 =	vmand vm5, vm4  }
0x5a: {  	vm4 =	vmor vm6, vm4  }
0x5b: {  	v3 =	vsel vm4, $0x1, v1  }
0x5c: {  	(xrf0) =	vadd.scan.msk.s32 $0xffff, v3;
	_ =	sdelay $0x5  }
0x5d: {  	v3, _, _ =	vpop (xrf0)  }
0x5e: {  	(v2sf) =	vpush v3, $0xF;
	_ =	sdelay $0x4  }
0x5f: {  	v3 =	vnsel vm3, $0x0, v6  }
0x60: {  	(xrf0) =	vadd.scan.msk.s32 $0xffff, v3;
	v3 =	vnsel vm2, $0x0, v4  }
0x61: {  	(xrf0) =	vadd.scan.msk.s32 $0xffff, v3;
	_ =	sdelay $0x4  }
0x62: {  	v3, _, _ =	vpop (xrf0)  }
0x63: {  	(v2sf) =	vpush v3, $0xF;
	v3, _, _ =	vpop (xrf0)  }
0x64: {  	s26 =	spop (v2sf);
	(v2sf) =	vpush v3, $0xF  }
0x65: {  	s19 =	sadd.s32 s19, s26;
	s21 =	spop (v2sf)  }
0x66: {  	s20 =	sadd.s32 s19, s21  }
0x67: {  	s28 =	sadd.s32 $0x3F, s20  }
0x68: {  	s29 =	sand.u32 $0x3F, s28  }
0x69: {  	s30 =	sshra.s32 s28, $0x1F;
	p1 =	slt.s32 s28, $0x1;
	p2 =	sne.s32 s29, $0x0  }
0x6a: {  	[tilespmem:s19+$0x2000] =	vst.msk vm4, v8;
	s31 =	sshrl.u32 s30, $0x1A;
	p1 =	por !p1, !p2  }
0x6b: {  	[tilespmem:s19+$0x4040] =	vst.msk vm4, v7;
	s21 =	simm.s32 $0x1;
	s19 =	sadd.s32 s31, s28;
	p1 =	por !p1, !p1  }
0x6c: {  	[tilespmem:s20+$0x2000] =	vst v1;
	s19 =	sshra.s32 s19, $0x6;
	s21 =	simm.s32 @!p1 $0x0  }
0x6d: {  	[tilespmem:s20+$0x4040] =	vst v2;
	s22 =	ssub.s32 s19, s21  }
0x6e: {  	[tilespmem:s20+$0x2010] =	vst v1;
	p1 =	slt.s32 s22, $0x1  }
.Ltmp3:
0x6f: {  	[tilespmem:s20+$0x4050] =	vst v2;
	(pc) =	sbr.rel @p1 .LBB2_10-.Ltmp3, $4  }
0x70: {  	[tilespmem:s20+$0x2020] =	vst v1  }
0x71: {  	[tilespmem:s20+$0x4060] =	vst v2  }
0x72: {  	[tilespmem:s20+$0x2030] =	vst v1;
	s19 =	spop (v2sf)  }
0x73: {  	[tilespmem:s20+$0x4070] =	vst v2;
	s23 =	spop (v2sf)  }
0x74: {  	p2 =	sne.s32 s22, $0x1  }
.Ltmp4:
0x75: {  	_ = 	snop;
	(pc) =	sbr.rel @!p2 .LBB2_5-.Ltmp4, $4  }
0x76: {  	_ = 	snop  }
0x77: {  	s23 =	smov.u32 @p0 s19  }
0x78: {  	s20 =	simm.s32 $0x4040;
	s21 =	simm.s32 $0x2020;
	s22 =	sadd.s32 $0xFFFFFFFF, s22  }
0x79: {  	p1 =	por $0x0, $0x0;
	s19 =	sshll.u32 s23, $0x1;
	s25 =	sshrl.u32 s23, $0x3  }
0x7a: {  	s24 =	sadd.s32 s6, s25  }
0x7b: {  	[hbm4b:s24+s3] =	stream.linear.scatter [tilespmem:s20], [sflag:$0x2], $0x40, $0x38;
	[tilespmem:$0x64F0] =	vst v63  }
0x7c: {  	_ =	swait.ge [sflag:s11], $0x40  }
0x7d: {  	[sflag:s11] =	ssyncset.done $0x0  }
0x7e: {  	[sflag:s11] =	ssyncadd.s32 $0xFFFFFFC0  }
0x7f: {  	v3 =	vld [tilespmem:s21+$0xFFFFFFE0];
	_ =	sdelay $0x4  }
0x80: {  	[tilespmem:$0x6080] =	vst v3  }
0x81: {  	v3 =	vld [tilespmem:s21+$0xFFFFFFF0];
	_ =	sdelay $0x4  }
0x82: {  	[tilespmem:$0x6090] =	vst v3  }
0x83: {  	v3 =	vld [tilespmem:s21+$0x0];
	_ =	sdelay $0x4  }
0x84: {  	[tilespmem:$0x60A0] =	vst v3  }
0x85: {  	v3 =	vld [tilespmem:s21+$0x10];
	_ =	sdelay $0x4  }
0x86: {  	s31 =	sand.u32 $0x1FFFFF80, s19;
	[tilespmem:$0x60B0] =	vst v3  }
0x87: {  	[tilespmem:s17], [sflag:$0x1] =	stream.indirect.gather [hbm4b:s4+s15], $0x10, s16, s15, $0xb8;
	[tilespmem:$0x64F0] =	vst v63  }
0x88: {  	p2 =	sne.s32 s22, $0x1;
	s22 =	sadd.s32 $0xFFFFFFFF, s22;
	_ =	swait.ge [sflag:s14], $0x400  }
.Ltmp5:
0x89: {  	s23 =	sadd.s32 $0x40, s23;
	[sflag:s14] =	ssyncset.done $0x0;
	(pc) =	sbr.rel @!p2 .LBB2_7-.Ltmp5, $4  }
0x8a: {  	s19 =	sadd.s32 $0x80, s19;
	s21 =	sadd.s32 s7, s31;
	[sflag:s14] =	ssyncadd.s32 $0xFFFFFC00  }
0x8b: {  	[hbm4b:s21+s3] =	stream.linear.scatter [tilespmem:s17], [sflag:$0x2], $0x400, $0x38;
	[tilespmem:$0x64F0] =	vst v63  }
0x8c: {  	p1 =	por $0x1, $0x1;
	s25 =	sshrl.u32 s23, $0x3;
	_ =	swait.ge [sflag:s11], $0x400  }
0x8d: {  	s24 =	simm.s32 $0x4040;
	s21 =	simm.s32 $0x2060;
	[sflag:s11] =	ssyncset.done $0x0  }
.LBB2_8:
0x8e: {  	s25 =	sadd.s32 s6, s25;
	[sflag:s11] =	ssyncadd.s32 $0xFFFFFC00;
	s24 =	sadd.s32 $0x40, s24  }
0x8f: {  	[hbm4b:s25+s3] =	stream.linear.scatter [tilespmem:s24], [sflag:$0x2], $0x40, $0x38;
	[tilespmem:$0x64F0] =	vst v63  }
0x90: {  	p2 =	sne.s32 s22, $0x1;
	s22 =	sadd.s32 $0xFFFFFFFF, s22;
	_ =	swait.ge [sflag:s11], $0x40  }
0x91: {  	[sflag:s11] =	ssyncset.done $0x0  }
0x92: {  	[sflag:s11] =	ssyncadd.s32 $0xFFFFFFC0  }
0x93: {  	v3 =	vld [tilespmem:s21+$0xFFFFFFE0];
	_ =	sdelay $0x4  }
0x94: {  	[tilespmem:$0x6080] =	vst v3  }
0x95: {  	v3 =	vld [tilespmem:s21+$0xFFFFFFF0];
	_ =	sdelay $0x4  }
0x96: {  	[tilespmem:$0x6090] =	vst v3  }
0x97: {  	v3 =	vld [tilespmem:s21+$0x0];
	_ =	sdelay $0x4  }
0x98: {  	[tilespmem:$0x60A0] =	vst v3  }
0x99: {  	v3 =	vld [tilespmem:s21+$0x10];
	_ =	sdelay $0x4  }
0x9a: {  	[tilespmem:$0x60B0] =	vst v3  }
0x9b: {  	[tilespmem:s17], [sflag:$0x1] =	stream.indirect.gather [hbm4b:s4+s15], $0x10, s16, s15, $0xb8;
	[tilespmem:$0x64F0] =	vst v63  }
0x9c: {  	_ =	swait.ge [sflag:s14], $0x400  }
.Ltmp6:
0x9d: {  	s25 =	sand.u32 $0x1FFFFF80, s19;
	[sflag:s14] =	ssyncset.done $0x0;
	(pc) =	sbr.rel @p2 .LBB2_8-.Ltmp6, $4  }
0x9e: {  	s25 =	sadd.s32 s7, s25;
	[sflag:s14] =	ssyncadd.s32 $0xFFFFFC00  }
0x9f: {  	[hbm4b:s25+s3] =	stream.linear.scatter [tilespmem:s17], [sflag:$0x2], $0x400, $0x38;
	[tilespmem:$0x64F0] =	vst v63  }
0xa0: {  	s23 =	sadd.s32 $0x40, s23;
	s19 =	sadd.s32 $0x80, s19;
	_ =	swait.ge [sflag:s11], $0x400  }
0xa1: {  	s21 =	sadd.s32 $0x40, s21;
	s25 =	sshrl.u32 s23, $0x3;
	[sflag:s11] =	ssyncset.done $0x0  }
.Ltmp7:
0xa2: {  	_ = 	snop;
	(pc) =	sbr.rel .LBB2_9-.Ltmp7, $1  }
0xa3: {  	_ =	sdelay $0x3  }
.LBB2_7:
.Ltmp8:
0xa4: {  	(pc) =	sbr.rel .LBB2_9-.Ltmp8, $2  }
0xa5: {  	_ =	sdelay $0x2  }
0xa6: {  	s24 =	simm.s32 $0x4040  }
.LBB2_11:
0xa7: {  	_ =	sfence.sel $0x180000  }
0xa8: {  	[bflag:$0x0] =	sbarrier.arrive $0xFFFF  }
0xa9: {  	p0 =	sne.s32 s0, $0x0;
	_ =	strace $0x90000047  }
0xaa: {  	s0 =	sadd.s32 @!p0 $0x100000, s1;
	[bflag:$0x2] =	sbarrier.arrive $0xFFFF  }
0xab: {  	[sflag:s0] =	ssyncadd.tile.s32 @!p0 $0x1;
	_ =	shalt  }
.Lfunc_end2:
_tile_overlayer_lowered:
.L_overlay_start_2:
0xac: {  	(tag) =	ssettag $0x2  }
0xad: {  	s0 =	rddreg [dreg:$0x0];
	s2 =	stileid.u32  }
0xae: {  	s1 =	rddreg [dreg:$0x1];
	p0 =	sne.s32 s2, $0x0  }
0xaf: {  	s3 =	rddreg [dreg:$0x2];
	[bflag:$0x3] =	sbarrier.arrive $0xFFFF;
	s2 =	simm.s32 @!p0 $0x1C02  }
0xb0: {  	[timem:s3], [sflag:s2] =	dma.local @!p0 [hbm:s0], s1  }
0xb1: {  	s0 =	simm.s32 @!p0 $0x2  }
0xb2: {  	_ =	swait.ge @!p0 [sflag:s0], s1  }
0xb3: {  	s1 =	ssub.s32 @!p0 $0x0, s1;
	[sflag:s0] =	ssyncset.done @!p0 $0x0  }
0xb4: {  	[sflag:s0] =	ssyncadd.s32 @!p0 s1  }
0xb5: {  	[bflag:$0x3] =	sbarrier.arrive $0xFFFF  }
0xb6: {  	_ =	shalt  }

</sc_bundles>
